<compile_context>
chip_gen: v7x
topology: tpu7x:2x2x1
jax: 0.10.2.dev20260603
libtpu: 0.0.44.dev20260713+nightly
codegen_flags: <defaults>
</compile_context>

<pallas_src>
import functools

import jax
import jax.numpy as jnp
from jax import lax
from jax.experimental import pallas as pl
from jax.experimental.pallas import tpu as pltpu
from jax.experimental.pallas import tpu_sc as plsc

EMBED = 64
NBUF = 2


@functools.partial(jax.jit, static_argnames=("total_rows",))
def _sc_gather(idx_flat, table, total_rows):
    info = plsc.get_sparse_core_info()
    nc, ns = info.num_cores, info.num_subcores
    nw = nc * ns
    b_per_w = total_rows // nw
    chunk = 832
    n_chunks = b_per_w // chunk
    assert b_per_w % chunk == 0 and chunk % 8 == 0

    mesh = plsc.VectorSubcoreMesh(core_axis_name="c", subcore_axis_name="s")

    @functools.partial(
        pl.kernel,
        mesh=mesh,
        compiler_params=pltpu.CompilerParams(use_tc_tiling_on_sc=False),
        out_type=jax.ShapeDtypeStruct((total_rows, EMBED), jnp.float32),
        scratch_types=[
            pltpu.VMEM((b_per_w,), jnp.int32),
            pltpu.VMEM((NBUF, chunk, EMBED), jnp.float32),
            pltpu.SemaphoreType.DMA((NBUF,)),
            pltpu.SemaphoreType.DMA((NBUF,)),
        ],
    )
    def k(idx_hbm, table_hbm, out_hbm, idx_v, rows_v, gsem, ssem):
        wid = lax.axis_index("s") * nc + lax.axis_index("c")
        base = wid * b_per_w
        pltpu.sync_copy(idx_hbm.at[pl.ds(base, b_per_w)], idx_v)

        hg = [None] * NBUF
        hs = [None] * NBUF
        for g in range(n_chunks):
            b = g % NBUF
            if hs[b] is not None:
                hs[b].wait()
                hs[b] = None
            hg[b] = pltpu.async_copy(
                table_hbm.at[idx_v.at[pl.ds(g * chunk, chunk)]],
                rows_v.at[b],
                gsem.at[b],
            )
            d = g - (NBUF - 1)
            if d >= 0:
                bd = d % NBUF
                hg[bd].wait()
                hs[bd] = pltpu.async_copy(
                    rows_v.at[bd],
                    out_hbm.at[pl.ds(base + d * chunk, chunk)],
                    ssem.at[bd],
                )
        for d in range(max(0, n_chunks - (NBUF - 1)), n_chunks):
            bd = d % NBUF
            if hs[bd] is not None:
                hs[bd].wait()
                hs[bd] = None
            hg[bd].wait()
            hs[bd] = pltpu.async_copy(
                rows_v.at[bd],
                out_hbm.at[pl.ds(base + d * chunk, chunk)],
                ssem.at[bd],
            )
        for h in hs:
            if h is not None:
                h.wait()

    return k(idx_flat, table)


def kernel(indices, table):
    original_shape = indices.shape
    idx_flat = indices.reshape(-1)
    out = _sc_gather(idx_flat, table, idx_flat.shape[0])
    if len(original_shape) == 1:
        return out
    return out.reshape(*original_shape, table.shape[1])

# --- scband reference (transcript-rebuilt; emitter-appended) ---
"""Pipeline reference for scband-hierarchical-hash-embedding-42863773614124 (READ-ONLY COPY).

The authoritative reference and input builder live on the scoring server;
editing this copy changes nothing except your own understanding.
"""

import jax, jax.numpy as jnp
import numpy as np

EMBEDDING_DIM = 64
MAX_CAPACITY = 1000000
BATCH = 16384
NUM_FIELDS = 26


def setup_inputs(seed: int = 0) -> dict:
    key = jax.random.key(seed)
    k_idx, k_tab = jax.random.split(key)
    indices = jax.random.randint(k_idx, (BATCH, NUM_FIELDS), 0, MAX_CAPACITY, dtype=jnp.int64 if jax.config.jax_enable_x64 else jnp.int32).astype(jnp.int32)
    init_std = np.sqrt(2.0 / EMBEDDING_DIM)
    table = jax.random.normal(k_tab, (MAX_CAPACITY, EMBEDDING_DIM), dtype=jnp.float32) * init_std
    return {"indices": indices, "table": table}


def reference(indices, table):
    # Model the steady-state behavior of HierarchicalHashEmbedding.forward:
    # all keys resident in the hash table -> a pure gather (find_or_insert == find).
    # indices: [B, F] or [B]; output: [*indices.shape, embedding_dim]
    original_shape = indices.shape
    indices_flat = indices.reshape(-1)
    embeddings = jnp.take(table, indices_flat, axis=0)
    if len(original_shape) == 1:
        return embeddings
    return embeddings.reshape(*original_shape, table.shape[1])

if __name__ == "__main__":
    import jax
    _d = setup_inputs()
    print(jax.jit(kernel)(*tuple(_d.values())))

</pallas_src>

<mosaic_0001>
#map = affine_map<(d0, d1) -> (0)>
#map1 = affine_map<(d0, d1) -> (0, 0)>
module attributes {stable_mosaic.version = 14 : i64} {
  func.func @k(%arg0: i32, %arg1: i32, %arg2: memref<425984xi32, #tpu.memory_space<hbm>>, %arg3: memref<1000000x64xf32, #tpu.memory_space<hbm>>, %arg4: memref<425984x64xf32, #tpu.memory_space<hbm>>, %arg5: memref<13312xi32, #tpu.memory_space<vmem>>, %arg6: memref<2x832x64xf32, #tpu.memory_space<vmem>>, %arg7: memref<2x!tpu.dma_semaphore, #tpu.memory_space<semaphore_mem>>, %arg8: memref<2x!tpu.dma_semaphore, #tpu.memory_space<semaphore_mem>>) attributes {dimension_semantics = [#tpu.dimension_semantics<core_parallel>, #tpu.dimension_semantics<subcore_parallel>], iteration_bounds = array<i64: 2, 16>, scalar_prefetch = 0 : i64, scratch_operands = 4 : i64, tpu.core_type = #tpu.core_type<sc_vector_subcore>, window_params = [{transform_indices = #map}, {transform_indices = #map1}, {transform_indices = #map1}]} {
    %mul3A = arith.constant 2 : i32
    %mul3A_0 = arith.muli %arg1, %mul3A : i32
    %add3A = arith.addi %mul3A_0, %arg0 : i32
    %mul3A_1 = arith.constant 13312 : i32
    %mul3A_2 = arith.muli %add3A, %mul3A_1 : i32
    "tpu.region"() ({
      %run_scoped3A = tpu.sem_alloc : memref<!tpu.dma_semaphore, #tpu.memory_space<semaphore_mem>>
      %dma_start3A_961 = tpu.memref_slice %arg2[%mul3A_2] : memref<425984xi32, #tpu.memory_space<hbm>> -> memref<13312xi32, #tpu.memory_space<hbm>>
      %dma_start3A_962 = tpu.memref_slice %arg2[%mul3A_2] : memref<425984xi32, #tpu.memory_space<hbm>> -> memref<13312xi32, #tpu.memory_space<hbm>>
      tpu.enqueue_dma source(%dma_start3A_962 : memref<13312xi32, #tpu.memory_space<hbm>>) target(%arg5 : memref<13312xi32, #tpu.memory_space<vmem>>) target_semaphore(%run_scoped3A : memref<!tpu.dma_semaphore, #tpu.memory_space<semaphore_mem>>)
      %dma_wait3A_963 = tpu.memref_slice %arg2[%mul3A_2] : memref<425984xi32, #tpu.memory_space<hbm>> -> memref<13312xi32, #tpu.memory_space<hbm>>
      %dma_wait3A_964 = tpu.memref_slice %arg2[%mul3A_2] : memref<425984xi32, #tpu.memory_space<hbm>> -> memref<13312xi32, #tpu.memory_space<hbm>>
      tpu.wait_dma2 semaphore(%run_scoped3A : memref<!tpu.dma_semaphore, #tpu.memory_space<semaphore_mem>>) src(%dma_wait3A_964 : memref<13312xi32, #tpu.memory_space<hbm>>) dst(%arg5 : memref<13312xi32, #tpu.memory_space<vmem>>)
      tpu.yield
    }) : () -> ()
    %dma_start3A = arith.constant 0 : i32
    %dma_start3A_3 = arith.constant 0 : i32
    %dma_start3A_4 = arith.constant 0 : i32
    %dma_start3A_5 = arith.constant 0 : i32
    %dma_start3A_6 = tpu.memref_slice %arg6[%dma_start3A, %dma_start3A_4, %dma_start3A_5] : memref<2x832x64xf32, #tpu.memory_space<vmem>> -> memref<1x832x64xf32, #tpu.memory_space<vmem>>
    %dma_start3A_7 = tpu.memref_squeeze %dma_start3A_6 : memref<1x832x64xf32, #tpu.memory_space<vmem>> -> memref<832x64xf32, #tpu.memory_space<vmem>>
    %dma_start3A_8 = arith.constant 0 : i32
    %dma_start3A_9 = tpu.memref_slice %arg5[%dma_start3A_8] : memref<13312xi32, #tpu.memory_space<vmem>> -> memref<832xi32, #tpu.memory_space<vmem>>
    %dma_start3A_10 = arith.constant 0 : i32
    %dma_start3A_11 = arith.constant 0 : i32
    %dma_start3A_12 = tpu.memref_slice %arg3[%dma_start3A_10, %dma_start3A_11] : memref<1000000x64xf32, #tpu.memory_space<hbm>> -> memref<1000000x64xf32, #tpu.memory_space<hbm>>
    %dma_start3A_13 = tpu.memref_slice %arg7[%dma_start3A_3] : memref<2x!tpu.dma_semaphore, #tpu.memory_space<semaphore_mem>> -> memref<1x!tpu.dma_semaphore, #tpu.memory_space<semaphore_mem>>
    %dma_start3A_14 = tpu.memref_squeeze %dma_start3A_13 : memref<1x!tpu.dma_semaphore, #tpu.memory_space<semaphore_mem>> -> memref<!tpu.dma_semaphore, #tpu.memory_space<semaphore_mem>>
    tpu.enqueue_indirect_dma source(%dma_start3A_12 : memref<1000000x64xf32, #tpu.memory_space<hbm>>) target(%dma_start3A_7 : memref<832x64xf32, #tpu.memory_space<vmem>>) offsets(%dma_start3A_9 : memref<832xi32, #tpu.memory_space<vmem>>) semaphore(%dma_start3A_14 : memref<!tpu.dma_semaphore, #tpu.memory_space<semaphore_mem>>)
    %dma_start3A_15 = arith.constant 1 : i32
    %dma_start3A_16 = arith.constant 1 : i32
    %dma_start3A_17 = arith.constant 0 : i32
    %dma_start3A_18 = arith.constant 0 : i32
    %dma_start3A_19 = tpu.memref_slice %arg6[%dma_start3A_15, %dma_start3A_17, %dma_start3A_18] : memref<2x832x64xf32, #tpu.memory_space<vmem>> -> memref<1x832x64xf32, #tpu.memory_space<vmem>>
    %dma_start3A_20 = tpu.memref_squeeze %dma_start3A_19 : memref<1x832x64xf32, #tpu.memory_space<vmem>> -> memref<832x64xf32, #tpu.memory_space<vmem>>
    %dma_start3A_21 = arith.constant 832 : i32
    %dma_start3A_22 = tpu.memref_slice %arg5[%dma_start3A_21] : memref<13312xi32, #tpu.memory_space<vmem>> -> memref<832xi32, #tpu.memory_space<vmem>>
    %dma_start3A_23 = arith.constant 0 : i32
    %dma_start3A_24 = arith.constant 0 : i32
    %dma_start3A_25 = tpu.memref_slice %arg3[%dma_start3A_23, %dma_start3A_24] : memref<1000000x64xf32, #tpu.memory_space<hbm>> -> memref<1000000x64xf32, #tpu.memory_space<hbm>>
    %dma_start3A_26 = tpu.memref_slice %arg7[%dma_start3A_16] : memref<2x!tpu.dma_semaphore, #tpu.memory_space<semaphore_mem>> -> memref<1x!tpu.dma_semaphore, #tpu.memory_space<semaphore_mem>>
    %dma_start3A_27 = tpu.memref_squeeze %dma_start3A_26 : memref<1x!tpu.dma_semaphore, #tpu.memory_space<semaphore_mem>> -> memref<!tpu.dma_semaphore, #tpu.memory_space<semaphore_mem>>
    tpu.enqueue_indirect_dma source(%dma_start3A_25 : memref<1000000x64xf32, #tpu.memory_space<hbm>>) target(%dma_start3A_20 : memref<832x64xf32, #tpu.memory_space<vmem>>) offsets(%dma_start3A_22 : memref<832xi32, #tpu.memory_space<vmem>>) semaphore(%dma_start3A_27 : memref<!tpu.dma_semaphore, #tpu.memory_space<semaphore_mem>>)
    %dma_wait3A = arith.constant 0 : i32
    %dma_wait3A_28 = arith.constant 0 : i32
    %dma_wait3A_29 = arith.constant 0 : i32
    %dma_wait3A_30 = arith.constant 0 : i32
    %dma_wait3A_31 = tpu.memref_slice %arg6[%dma_wait3A, %dma_wait3A_29, %dma_wait3A_30] : memref<2x832x64xf32, #tpu.memory_space<vmem>> -> memref<1x832x64xf32, #tpu.memory_space<vmem>>
    %dma_wait3A_32 = tpu.memref_squeeze %dma_wait3A_31 : memref<1x832x64xf32, #tpu.memory_space<vmem>> -> memref<832x64xf32, #tpu.memory_space<vmem>>
    %dma_wait3A_33 = arith.constant 0 : i32
    %dma_wait3A_34 = tpu.memref_slice %arg5[%dma_wait3A_33] : memref<13312xi32, #tpu.memory_space<vmem>> -> memref<832xi32, #tpu.memory_space<vmem>>
    %dma_wait3A_35 = arith.constant 0 : i32
    %dma_wait3A_36 = arith.constant 0 : i32
    %dma_wait3A_37 = tpu.memref_slice %arg3[%dma_wait3A_35, %dma_wait3A_36] : memref<1000000x64xf32, #tpu.memory_space<hbm>> -> memref<1000000x64xf32, #tpu.memory_space<hbm>>
    %dma_wait3A_38 = tpu.memref_slice %arg7[%dma_wait3A_28] : memref<2x!tpu.dma_semaphore, #tpu.memory_space<semaphore_mem>> -> memref<1x!tpu.dma_semaphore, #tpu.memory_space<semaphore_mem>>
    %dma_wait3A_39 = tpu.memref_squeeze %dma_wait3A_38 : memref<1x!tpu.dma_semaphore, #tpu.memory_space<semaphore_mem>> -> memref<!tpu.dma_semaphore, #tpu.memory_space<semaphore_mem>>
    tpu.wait_indirect_dma semaphore(%dma_wait3A_39 : memref<!tpu.dma_semaphore, #tpu.memory_space<semaphore_mem>>) src(%dma_wait3A_37 : memref<1000000x64xf32, #tpu.memory_space<hbm>>) dst(%dma_wait3A_32 : memref<832x64xf32, #tpu.memory_space<vmem>>)
    %add3A_40 = arith.constant 0 : i32
    %add3A_41 = arith.addi %mul3A_2, %add3A_40 : i32
    %dma_start3A_42 = arith.constant 0 : i32
    %dma_start3A_43 = arith.constant 0 : i32
    %dma_start3A_44 = arith.constant 0 : i32
    %dma_start3A_45 = arith.constant 0 : i32
    %dma_start3A_46 = tpu.memref_slice %arg6[%dma_start3A_42, %dma_start3A_44, %dma_start3A_45] : memref<2x832x64xf32, #tpu.memory_space<vmem>> -> memref<1x832x64xf32, #tpu.memory_space<vmem>>
    %dma_start3A_47 = tpu.memref_squeeze %dma_start3A_46 : memref<1x832x64xf32, #tpu.memory_space<vmem>> -> memref<832x64xf32, #tpu.memory_space<vmem>>
    %dma_start3A_48 = arith.constant 0 : i32
    %dma_start3A_49 = tpu.memref_slice %arg4[%add3A_41, %dma_start3A_48] : memref<425984x64xf32, #tpu.memory_space<hbm>> -> memref<832x64xf32, #tpu.memory_space<hbm>>
    %dma_start3A_50 = tpu.memref_slice %arg8[%dma_start3A_43] : memref<2x!tpu.dma_semaphore, #tpu.memory_space<semaphore_mem>> -> memref<1x!tpu.dma_semaphore, #tpu.memory_space<semaphore_mem>>
    %dma_start3A_51 = tpu.memref_squeeze %dma_start3A_50 : memref<1x!tpu.dma_semaphore, #tpu.memory_space<semaphore_mem>> -> memref<!tpu.dma_semaphore, #tpu.memory_space<semaphore_mem>>
    %dma_start3A_52 = arith.constant 0 : i32
    %dma_start3A_53 = tpu.memref_slice %arg4[%add3A_41, %dma_start3A_52] : memref<425984x64xf32, #tpu.memory_space<hbm>> -> memref<832x64xf32, #tpu.memory_space<hbm>>
    %dma_start3A_54 = arith.constant 0 : i32
    %dma_start3A_55 = arith.constant 0 : i32
    %dma_start3A_56 = tpu.memref_slice %arg6[%dma_start3A_42, %dma_start3A_54, %dma_start3A_55] : memref<2x832x64xf32, #tpu.memory_space<vmem>> -> memref<1x832x64xf32, #tpu.memory_space<vmem>>
    %dma_start3A_57 = tpu.memref_squeeze %dma_start3A_56 : memref<1x832x64xf32, #tpu.memory_space<vmem>> -> memref<832x64xf32, #tpu.memory_space<vmem>>
    tpu.enqueue_dma source(%dma_start3A_57 : memref<832x64xf32, #tpu.memory_space<vmem>>) target(%dma_start3A_53 : memref<832x64xf32, #tpu.memory_space<hbm>>) target_semaphore(%dma_start3A_51 : memref<!tpu.dma_semaphore, #tpu.memory_space<semaphore_mem>>)
    %dma_wait3A_58 = arith.constant 0 : i32
    %dma_wait3A_59 = arith.constant 0 : i32
    %dma_wait3A_60 = arith.constant 0 : i32
    %dma_wait3A_61 = arith.constant 0 : i32
    %dma_wait3A_62 = tpu.memref_slice %arg6[%dma_wait3A_58, %dma_wait3A_60, %dma_wait3A_61] : memref<2x832x64xf32, #tpu.memory_space<vmem>> -> memref<1x832x64xf32, #tpu.memory_space<vmem>>
    %dma_wait3A_63 = tpu.memref_squeeze %dma_wait3A_62 : memref<1x832x64xf32, #tpu.memory_space<vmem>> -> memref<832x64xf32, #tpu.memory_space<vmem>>
    %dma_wait3A_64 = arith.constant 0 : i32
    %dma_wait3A_65 = tpu.memref_slice %arg4[%add3A_41, %dma_wait3A_64] : memref<425984x64xf32, #tpu.memory_space<hbm>> -> memref<832x64xf32, #tpu.memory_space<hbm>>
    %dma_wait3A_66 = tpu.memref_slice %arg8[%dma_wait3A_59] : memref<2x!tpu.dma_semaphore, #tpu.memory_space<semaphore_mem>> -> memref<1x!tpu.dma_semaphore, #tpu.memory_space<semaphore_mem>>
    %dma_wait3A_67 = tpu.memref_squeeze %dma_wait3A_66 : memref<1x!tpu.dma_semaphore, #tpu.memory_space<semaphore_mem>> -> memref<!tpu.dma_semaphore, #tpu.memory_space<semaphore_mem>>
    %dma_wait3A_68 = arith.constant 0 : i32
    %dma_wait3A_69 = tpu.memref_slice %arg4[%add3A_41, %dma_wait3A_68] : memref<425984x64xf32, #tpu.memory_space<hbm>> -> memref<832x64xf32, #tpu.memory_space<hbm>>
    %dma_wait3A_70 = arith.constant 0 : i32
    %dma_wait3A_71 = arith.constant 0 : i32
    %dma_wait3A_72 = tpu.memref_slice %arg6[%dma_wait3A_58, %dma_wait3A_70, %dma_wait3A_71] : memref<2x832x64xf32, #tpu.memory_space<vmem>> -> memref<1x832x64xf32, #tpu.memory_space<vmem>>
    %dma_wait3A_73 = tpu.memref_squeeze %dma_wait3A_72 : memref<1x832x64xf32, #tpu.memory_space<vmem>> -> memref<832x64xf32, #tpu.memory_space<vmem>>
    tpu.wait_dma2 semaphore(%dma_wait3A_67 : memref<!tpu.dma_semaphore, #tpu.memory_space<semaphore_mem>>) src(%dma_wait3A_73 : memref<832x64xf32, #tpu.memory_space<vmem>>) dst(%dma_wait3A_69 : memref<832x64xf32, #tpu.memory_space<hbm>>)
    %dma_start3A_74 = arith.constant 0 : i32
    %dma_start3A_75 = arith.constant 0 : i32
    %dma_start3A_76 = arith.constant 0 : i32
    %dma_start3A_77 = arith.constant 0 : i32
    %dma_start3A_78 = tpu.memref_slice %arg6[%dma_start3A_74, %dma_start3A_76, %dma_start3A_77] : memref<2x832x64xf32, #tpu.memory_space<vmem>> -> memref<1x832x64xf32, #tpu.memory_space<vmem>>
    %dma_start3A_79 = tpu.memref_squeeze %dma_start3A_78 : memref<1x832x64xf32, #tpu.memory_space<vmem>> -> memref<832x64xf32, #tpu.memory_space<vmem>>
    %dma_start3A_80 = arith.constant 1664 : i32
    %dma_start3A_81 = tpu.memref_slice %arg5[%dma_start3A_80] : memref<13312xi32, #tpu.memory_space<vmem>> -> memref<832xi32, #tpu.memory_space<vmem>>
    %dma_start3A_82 = arith.constant 0 : i32
    %dma_start3A_83 = arith.constant 0 : i32
    %dma_start3A_84 = tpu.memref_slice %arg3[%dma_start3A_82, %dma_start3A_83] : memref<1000000x64xf32, #tpu.memory_space<hbm>> -> memref<1000000x64xf32, #tpu.memory_space<hbm>>
    %dma_start3A_85 = tpu.memref_slice %arg7[%dma_start3A_75] : memref<2x!tpu.dma_semaphore, #tpu.memory_space<semaphore_mem>> -> memref<1x!tpu.dma_semaphore, #tpu.memory_space<semaphore_mem>>
    %dma_start3A_86 = tpu.memref_squeeze %dma_start3A_85 : memref<1x!tpu.dma_semaphore, #tpu.memory_space<semaphore_mem>> -> memref<!tpu.dma_semaphore, #tpu.memory_space<semaphore_mem>>
    tpu.enqueue_indirect_dma source(%dma_start3A_84 : memref<1000000x64xf32, #tpu.memory_space<hbm>>) target(%dma_start3A_79 : memref<832x64xf32, #tpu.memory_space<vmem>>) offsets(%dma_start3A_81 : memref<832xi32, #tpu.memory_space<vmem>>) semaphore(%dma_start3A_86 : memref<!tpu.dma_semaphore, #tpu.memory_space<semaphore_mem>>)
    %dma_wait3A_87 = arith.constant 1 : i32
    %dma_wait3A_88 = arith.constant 1 : i32
    %dma_wait3A_89 = arith.constant 0 : i32
    %dma_wait3A_90 = arith.constant 0 : i32
    %dma_wait3A_91 = tpu.memref_slice %arg6[%dma_wait3A_87, %dma_wait3A_89, %dma_wait3A_90] : memref<2x832x64xf32, #tpu.memory_space<vmem>> -> memref<1x832x64xf32, #tpu.memory_space<vmem>>
    %dma_wait3A_92 = tpu.memref_squeeze %dma_wait3A_91 : memref<1x832x64xf32, #tpu.memory_space<vmem>> -> memref<832x64xf32, #tpu.memory_space<vmem>>
    %dma_wait3A_93 = arith.constant 832 : i32
    %dma_wait3A_94 = tpu.memref_slice %arg5[%dma_wait3A_93] : memref<13312xi32, #tpu.memory_space<vmem>> -> memref<832xi32, #tpu.memory_space<vmem>>
    %dma_wait3A_95 = arith.constant 0 : i32
    %dma_wait3A_96 = arith.constant 0 : i32
    %dma_wait3A_97 = tpu.memref_slice %arg3[%dma_wait3A_95, %dma_wait3A_96] : memref<1000000x64xf32, #tpu.memory_space<hbm>> -> memref<1000000x64xf32, #tpu.memory_space<hbm>>
    %dma_wait3A_98 = tpu.memref_slice %arg7[%dma_wait3A_88] : memref<2x!tpu.dma_semaphore, #tpu.memory_space<semaphore_mem>> -> memref<1x!tpu.dma_semaphore, #tpu.memory_space<semaphore_mem>>
    %dma_wait3A_99 = tpu.memref_squeeze %dma_wait3A_98 : memref<1x!tpu.dma_semaphore, #tpu.memory_space<semaphore_mem>> -> memref<!tpu.dma_semaphore, #tpu.memory_space<semaphore_mem>>
    tpu.wait_indirect_dma semaphore(%dma_wait3A_99 : memref<!tpu.dma_semaphore, #tpu.memory_space<semaphore_mem>>) src(%dma_wait3A_97 : memref<1000000x64xf32, #tpu.memory_space<hbm>>) dst(%dma_wait3A_92 : memref<832x64xf32, #tpu.memory_space<vmem>>)
    %add3A_100 = arith.constant 832 : i32
    %add3A_101 = arith.addi %mul3A_2, %add3A_100 : i32
    %dma_start3A_102 = arith.constant 1 : i32
    %dma_start3A_103 = arith.constant 1 : i32
    %dma_start3A_104 = arith.constant 0 : i32
    %dma_start3A_105 = arith.constant 0 : i32
    %dma_start3A_106 = tpu.memref_slice %arg6[%dma_start3A_102, %dma_start3A_104, %dma_start3A_105] : memref<2x832x64xf32, #tpu.memory_space<vmem>> -> memref<1x832x64xf32, #tpu.memory_space<vmem>>
    %dma_start3A_107 = tpu.memref_squeeze %dma_start3A_106 : memref<1x832x64xf32, #tpu.memory_space<vmem>> -> memref<832x64xf32, #tpu.memory_space<vmem>>
    %dma_start3A_108 = arith.constant 0 : i32
    %dma_start3A_109 = tpu.memref_slice %arg4[%add3A_101, %dma_start3A_108] : memref<425984x64xf32, #tpu.memory_space<hbm>> -> memref<832x64xf32, #tpu.memory_space<hbm>>
    %dma_start3A_110 = tpu.memref_slice %arg8[%dma_start3A_103] : memref<2x!tpu.dma_semaphore, #tpu.memory_space<semaphore_mem>> -> memref<1x!tpu.dma_semaphore, #tpu.memory_space<semaphore_mem>>
    %dma_start3A_111 = tpu.memref_squeeze %dma_start3A_110 : memref<1x!tpu.dma_semaphore, #tpu.memory_space<semaphore_mem>> -> memref<!tpu.dma_semaphore, #tpu.memory_space<semaphore_mem>>
    %dma_start3A_112 = arith.constant 0 : i32
    %dma_start3A_113 = tpu.memref_slice %arg4[%add3A_101, %dma_start3A_112] : memref<425984x64xf32, #tpu.memory_space<hbm>> -> memref<832x64xf32, #tpu.memory_space<hbm>>
    %dma_start3A_114 = arith.constant 0 : i32
    %dma_start3A_115 = arith.constant 0 : i32
    %dma_start3A_116 = tpu.memref_slice %arg6[%dma_start3A_102, %dma_start3A_114, %dma_start3A_115] : memref<2x832x64xf32, #tpu.memory_space<vmem>> -> memref<1x832x64xf32, #tpu.memory_space<vmem>>
    %dma_start3A_117 = tpu.memref_squeeze %dma_start3A_116 : memref<1x832x64xf32, #tpu.memory_space<vmem>> -> memref<832x64xf32, #tpu.memory_space<vmem>>
    tpu.enqueue_dma source(%dma_start3A_117 : memref<832x64xf32, #tpu.memory_space<vmem>>) target(%dma_start3A_113 : memref<832x64xf32, #tpu.memory_space<hbm>>) target_semaphore(%dma_start3A_111 : memref<!tpu.dma_semaphore, #tpu.memory_space<semaphore_mem>>)
    %dma_wait3A_118 = arith.constant 1 : i32
    %dma_wait3A_119 = arith.constant 1 : i32
    %dma_wait3A_120 = arith.constant 0 : i32
    %dma_wait3A_121 = arith.constant 0 : i32
    %dma_wait3A_122 = tpu.memref_slice %arg6[%dma_wait3A_118, %dma_wait3A_120, %dma_wait3A_121] : memref<2x832x64xf32, #tpu.memory_space<vmem>> -> memref<1x832x64xf32, #tpu.memory_space<vmem>>
    %dma_wait3A_123 = tpu.memref_squeeze %dma_wait3A_122 : memref<1x832x64xf32, #tpu.memory_space<vmem>> -> memref<832x64xf32, #tpu.memory_space<vmem>>
    %dma_wait3A_124 = arith.constant 0 : i32
    %dma_wait3A_125 = tpu.memref_slice %arg4[%add3A_101, %dma_wait3A_124] : memref<425984x64xf32, #tpu.memory_space<hbm>> -> memref<832x64xf32, #tpu.memory_space<hbm>>
    %dma_wait3A_126 = tpu.memref_slice %arg8[%dma_wait3A_119] : memref<2x!tpu.dma_semaphore, #tpu.memory_space<semaphore_mem>> -> memref<1x!tpu.dma_semaphore, #tpu.memory_space<semaphore_mem>>
    %dma_wait3A_127 = tpu.memref_squeeze %dma_wait3A_126 : memref<1x!tpu.dma_semaphore, #tpu.memory_space<semaphore_mem>> -> memref<!tpu.dma_semaphore, #tpu.memory_space<semaphore_mem>>
    %dma_wait3A_128 = arith.constant 0 : i32
    %dma_wait3A_129 = tpu.memref_slice %arg4[%add3A_101, %dma_wait3A_128] : memref<425984x64xf32, #tpu.memory_space<hbm>> -> memref<832x64xf32, #tpu.memory_space<hbm>>
    %dma_wait3A_130 = arith.constant 0 : i32
    %dma_wait3A_131 = arith.constant 0 : i32
    %dma_wait3A_132 = tpu.memref_slice %arg6[%dma_wait3A_118, %dma_wait3A_130, %dma_wait3A_131] : memref<2x832x64xf32, #tpu.memory_space<vmem>> -> memref<1x832x64xf32, #tpu.memory_space<vmem>>
    %dma_wait3A_133 = tpu.memref_squeeze %dma_wait3A_132 : memref<1x832x64xf32, #tpu.memory_space<vmem>> -> memref<832x64xf32, #tpu.memory_space<vmem>>
    tpu.wait_dma2 semaphore(%dma_wait3A_127 : memref<!tpu.dma_semaphore, #tpu.memory_space<semaphore_mem>>) src(%dma_wait3A_133 : memref<832x64xf32, #tpu.memory_space<vmem>>) dst(%dma_wait3A_129 : memref<832x64xf32, #tpu.memory_space<hbm>>)
    %dma_start3A_134 = arith.constant 1 : i32
    %dma_start3A_135 = arith.constant 1 : i32
    %dma_start3A_136 = arith.constant 0 : i32
    %dma_start3A_137 = arith.constant 0 : i32
    %dma_start3A_138 = tpu.memref_slice %arg6[%dma_start3A_134, %dma_start3A_136, %dma_start3A_137] : memref<2x832x64xf32, #tpu.memory_space<vmem>> -> memref<1x832x64xf32, #tpu.memory_space<vmem>>
    %dma_start3A_139 = tpu.memref_squeeze %dma_start3A_138 : memref<1x832x64xf32, #tpu.memory_space<vmem>> -> memref<832x64xf32, #tpu.memory_space<vmem>>
    %dma_start3A_140 = arith.constant 2496 : i32
    %dma_start3A_141 = tpu.memref_slice %arg5[%dma_start3A_140] : memref<13312xi32, #tpu.memory_space<vmem>> -> memref<832xi32, #tpu.memory_space<vmem>>
    %dma_start3A_142 = arith.constant 0 : i32
    %dma_start3A_143 = arith.constant 0 : i32
    %dma_start3A_144 = tpu.memref_slice %arg3[%dma_start3A_142, %dma_start3A_143] : memref<1000000x64xf32, #tpu.memory_space<hbm>> -> memref<1000000x64xf32, #tpu.memory_space<hbm>>
    %dma_start3A_145 = tpu.memref_slice %arg7[%dma_start3A_135] : memref<2x!tpu.dma_semaphore, #tpu.memory_space<semaphore_mem>> -> memref<1x!tpu.dma_semaphore, #tpu.memory_space<semaphore_mem>>
    %dma_start3A_146 = tpu.memref_squeeze %dma_start3A_145 : memref<1x!tpu.dma_semaphore, #tpu.memory_space<semaphore_mem>> -> memref<!tpu.dma_semaphore, #tpu.memory_space<semaphore_mem>>
    tpu.enqueue_indirect_dma source(%dma_start3A_144 : memref<1000000x64xf32, #tpu.memory_space<hbm>>) target(%dma_start3A_139 : memref<832x64xf32, #tpu.memory_space<vmem>>) offsets(%dma_start3A_141 : memref<832xi32, #tpu.memory_space<vmem>>) semaphore(%dma_start3A_146 : memref<!tpu.dma_semaphore, #tpu.memory_space<semaphore_mem>>)
    %dma_wait3A_147 = arith.constant 0 : i32
    %dma_wait3A_148 = arith.constant 0 : i32
    %dma_wait3A_149 = arith.constant 0 : i32
    %dma_wait3A_150 = arith.constant 0 : i32
    %dma_wait3A_151 = tpu.memref_slice %arg6[%dma_wait3A_147, %dma_wait3A_149, %dma_wait3A_150] : memref<2x832x64xf32, #tpu.memory_space<vmem>> -> memref<1x832x64xf32, #tpu.memory_space<vmem>>
    %dma_wait3A_152 = tpu.memref_squeeze %dma_wait3A_151 : memref<1x832x64xf32, #tpu.memory_space<vmem>> -> memref<832x64xf32, #tpu.memory_space<vmem>>
    %dma_wait3A_153 = arith.constant 1664 : i32
    %dma_wait3A_154 = tpu.memref_slice %arg5[%dma_wait3A_153] : memref<13312xi32, #tpu.memory_space<vmem>> -> memref<832xi32, #tpu.memory_space<vmem>>
    %dma_wait3A_155 = arith.constant 0 : i32
    %dma_wait3A_156 = arith.constant 0 : i32
    %dma_wait3A_157 = tpu.memref_slice %arg3[%dma_wait3A_155, %dma_wait3A_156] : memref<1000000x64xf32, #tpu.memory_space<hbm>> -> memref<1000000x64xf32, #tpu.memory_space<hbm>>
    %dma_wait3A_158 = tpu.memref_slice %arg7[%dma_wait3A_148] : memref<2x!tpu.dma_semaphore, #tpu.memory_space<semaphore_mem>> -> memref<1x!tpu.dma_semaphore, #tpu.memory_space<semaphore_mem>>
    %dma_wait3A_159 = tpu.memref_squeeze %dma_wait3A_158 : memref<1x!tpu.dma_semaphore, #tpu.memory_space<semaphore_mem>> -> memref<!tpu.dma_semaphore, #tpu.memory_space<semaphore_mem>>
    tpu.wait_indirect_dma semaphore(%dma_wait3A_159 : memref<!tpu.dma_semaphore, #tpu.memory_space<semaphore_mem>>) src(%dma_wait3A_157 : memref<1000000x64xf32, #tpu.memory_space<hbm>>) dst(%dma_wait3A_152 : memref<832x64xf32, #tpu.memory_space<vmem>>)
    %add3A_160 = arith.constant 1664 : i32
    %add3A_161 = arith.addi %mul3A_2, %add3A_160 : i32
    %dma_start3A_162 = arith.constant 0 : i32
    %dma_start3A_163 = arith.constant 0 : i32
    %dma_start3A_164 = arith.constant 0 : i32
    %dma_start3A_165 = arith.constant 0 : i32
    %dma_start3A_166 = tpu.memref_slice %arg6[%dma_start3A_162, %dma_start3A_164, %dma_start3A_165] : memref<2x832x64xf32, #tpu.memory_space<vmem>> -> memref<1x832x64xf32, #tpu.memory_space<vmem>>
    %dma_start3A_167 = tpu.memref_squeeze %dma_start3A_166 : memref<1x832x64xf32, #tpu.memory_space<vmem>> -> memref<832x64xf32, #tpu.memory_space<vmem>>
    %dma_start3A_168 = arith.constant 0 : i32
    %dma_start3A_169 = tpu.memref_slice %arg4[%add3A_161, %dma_start3A_168] : memref<425984x64xf32, #tpu.memory_space<hbm>> -> memref<832x64xf32, #tpu.memory_space<hbm>>
    %dma_start3A_170 = tpu.memref_slice %arg8[%dma_start3A_163] : memref<2x!tpu.dma_semaphore, #tpu.memory_space<semaphore_mem>> -> memref<1x!tpu.dma_semaphore, #tpu.memory_space<semaphore_mem>>
    %dma_start3A_171 = tpu.memref_squeeze %dma_start3A_170 : memref<1x!tpu.dma_semaphore, #tpu.memory_space<semaphore_mem>> -> memref<!tpu.dma_semaphore, #tpu.memory_space<semaphore_mem>>
    %dma_start3A_172 = arith.constant 0 : i32
    %dma_start3A_173 = tpu.memref_slice %arg4[%add3A_161, %dma_start3A_172] : memref<425984x64xf32, #tpu.memory_space<hbm>> -> memref<832x64xf32, #tpu.memory_space<hbm>>
    %dma_start3A_174 = arith.constant 0 : i32
    %dma_start3A_175 = arith.constant 0 : i32
    %dma_start3A_176 = tpu.memref_slice %arg6[%dma_start3A_162, %dma_start3A_174, %dma_start3A_175] : memref<2x832x64xf32, #tpu.memory_space<vmem>> -> memref<1x832x64xf32, #tpu.memory_space<vmem>>
    %dma_start3A_177 = tpu.memref_squeeze %dma_start3A_176 : memref<1x832x64xf32, #tpu.memory_space<vmem>> -> memref<832x64xf32, #tpu.memory_space<vmem>>
    tpu.enqueue_dma source(%dma_start3A_177 : memref<832x64xf32, #tpu.memory_space<vmem>>) target(%dma_start3A_173 : memref<832x64xf32, #tpu.memory_space<hbm>>) target_semaphore(%dma_start3A_171 : memref<!tpu.dma_semaphore, #tpu.memory_space<semaphore_mem>>)
    %dma_wait3A_178 = arith.constant 0 : i32
    %dma_wait3A_179 = arith.constant 0 : i32
    %dma_wait3A_180 = arith.constant 0 : i32
    %dma_wait3A_181 = arith.constant 0 : i32
    %dma_wait3A_182 = tpu.memref_slice %arg6[%dma_wait3A_178, %dma_wait3A_180, %dma_wait3A_181] : memref<2x832x64xf32, #tpu.memory_space<vmem>> -> memref<1x832x64xf32, #tpu.memory_space<vmem>>
    %dma_wait3A_183 = tpu.memref_squeeze %dma_wait3A_182 : memref<1x832x64xf32, #tpu.memory_space<vmem>> -> memref<832x64xf32, #tpu.memory_space<vmem>>
    %dma_wait3A_184 = arith.constant 0 : i32
    %dma_wait3A_185 = tpu.memref_slice %arg4[%add3A_161, %dma_wait3A_184] : memref<425984x64xf32, #tpu.memory_space<hbm>> -> memref<832x64xf32, #tpu.memory_space<hbm>>
    %dma_wait3A_186 = tpu.memref_slice %arg8[%dma_wait3A_179] : memref<2x!tpu.dma_semaphore, #tpu.memory_space<semaphore_mem>> -> memref<1x!tpu.dma_semaphore, #tpu.memory_space<semaphore_mem>>
    %dma_wait3A_187 = tpu.memref_squeeze %dma_wait3A_186 : memref<1x!tpu.dma_semaphore, #tpu.memory_space<semaphore_mem>> -> memref<!tpu.dma_semaphore, #tpu.memory_space<semaphore_mem>>
    %dma_wait3A_188 = arith.constant 0 : i32
    %dma_wait3A_189 = tpu.memref_slice %arg4[%add3A_161, %dma_wait3A_188] : memref<425984x64xf32, #tpu.memory_space<hbm>> -> memref<832x64xf32, #tpu.memory_space<hbm>>
    %dma_wait3A_190 = arith.constant 0 : i32
    %dma_wait3A_191 = arith.constant 0 : i32
    %dma_wait3A_192 = tpu.memref_slice %arg6[%dma_wait3A_178, %dma_wait3A_190, %dma_wait3A_191] : memref<2x832x64xf32, #tpu.memory_space<vmem>> -> memref<1x832x64xf32, #tpu.memory_space<vmem>>
    %dma_wait3A_193 = tpu.memref_squeeze %dma_wait3A_192 : memref<1x832x64xf32, #tpu.memory_space<vmem>> -> memref<832x64xf32, #tpu.memory_space<vmem>>
    tpu.wait_dma2 semaphore(%dma_wait3A_187 : memref<!tpu.dma_semaphore, #tpu.memory_space<semaphore_mem>>) src(%dma_wait3A_193 : memref<832x64xf32, #tpu.memory_space<vmem>>) dst(%dma_wait3A_189 : memref<832x64xf32, #tpu.memory_space<hbm>>)
    %dma_start3A_194 = arith.constant 0 : i32
    %dma_start3A_195 = arith.constant 0 : i32
    %dma_start3A_196 = arith.constant 0 : i32
    %dma_start3A_197 = arith.constant 0 : i32
    %dma_start3A_198 = tpu.memref_slice %arg6[%dma_start3A_194, %dma_start3A_196, %dma_start3A_197] : memref<2x832x64xf32, #tpu.memory_space<vmem>> -> memref<1x832x64xf32, #tpu.memory_space<vmem>>
    %dma_start3A_199 = tpu.memref_squeeze %dma_start3A_198 : memref<1x832x64xf32, #tpu.memory_space<vmem>> -> memref<832x64xf32, #tpu.memory_space<vmem>>
    %dma_start3A_200 = arith.constant 3328 : i32
    %dma_start3A_201 = tpu.memref_slice %arg5[%dma_start3A_200] : memref<13312xi32, #tpu.memory_space<vmem>> -> memref<832xi32, #tpu.memory_space<vmem>>
    %dma_start3A_202 = arith.constant 0 : i32
    %dma_start3A_203 = arith.constant 0 : i32
    %dma_start3A_204 = tpu.memref_slice %arg3[%dma_start3A_202, %dma_start3A_203] : memref<1000000x64xf32, #tpu.memory_space<hbm>> -> memref<1000000x64xf32, #tpu.memory_space<hbm>>
    %dma_start3A_205 = tpu.memref_slice %arg7[%dma_start3A_195] : memref<2x!tpu.dma_semaphore, #tpu.memory_space<semaphore_mem>> -> memref<1x!tpu.dma_semaphore, #tpu.memory_space<semaphore_mem>>
    %dma_start3A_206 = tpu.memref_squeeze %dma_start3A_205 : memref<1x!tpu.dma_semaphore, #tpu.memory_space<semaphore_mem>> -> memref<!tpu.dma_semaphore, #tpu.memory_space<semaphore_mem>>
    tpu.enqueue_indirect_dma source(%dma_start3A_204 : memref<1000000x64xf32, #tpu.memory_space<hbm>>) target(%dma_start3A_199 : memref<832x64xf32, #tpu.memory_space<vmem>>) offsets(%dma_start3A_201 : memref<832xi32, #tpu.memory_space<vmem>>) semaphore(%dma_start3A_206 : memref<!tpu.dma_semaphore, #tpu.memory_space<semaphore_mem>>)
    %dma_wait3A_207 = arith.constant 1 : i32
    %dma_wait3A_208 = arith.constant 1 : i32
    %dma_wait3A_209 = arith.constant 0 : i32
    %dma_wait3A_210 = arith.constant 0 : i32
    %dma_wait3A_211 = tpu.memref_slice %arg6[%dma_wait3A_207, %dma_wait3A_209, %dma_wait3A_210] : memref<2x832x64xf32, #tpu.memory_space<vmem>> -> memref<1x832x64xf32, #tpu.memory_space<vmem>>
    %dma_wait3A_212 = tpu.memref_squeeze %dma_wait3A_211 : memref<1x832x64xf32, #tpu.memory_space<vmem>> -> memref<832x64xf32, #tpu.memory_space<vmem>>
    %dma_wait3A_213 = arith.constant 2496 : i32
    %dma_wait3A_214 = tpu.memref_slice %arg5[%dma_wait3A_213] : memref<13312xi32, #tpu.memory_space<vmem>> -> memref<832xi32, #tpu.memory_space<vmem>>
    %dma_wait3A_215 = arith.constant 0 : i32
    %dma_wait3A_216 = arith.constant 0 : i32
    %dma_wait3A_217 = tpu.memref_slice %arg3[%dma_wait3A_215, %dma_wait3A_216] : memref<1000000x64xf32, #tpu.memory_space<hbm>> -> memref<1000000x64xf32, #tpu.memory_space<hbm>>
    %dma_wait3A_218 = tpu.memref_slice %arg7[%dma_wait3A_208] : memref<2x!tpu.dma_semaphore, #tpu.memory_space<semaphore_mem>> -> memref<1x!tpu.dma_semaphore, #tpu.memory_space<semaphore_mem>>
    %dma_wait3A_219 = tpu.memref_squeeze %dma_wait3A_218 : memref<1x!tpu.dma_semaphore, #tpu.memory_space<semaphore_mem>> -> memref<!tpu.dma_semaphore, #tpu.memory_space<semaphore_mem>>
    tpu.wait_indirect_dma semaphore(%dma_wait3A_219 : memref<!tpu.dma_semaphore, #tpu.memory_space<semaphore_mem>>) src(%dma_wait3A_217 : memref<1000000x64xf32, #tpu.memory_space<hbm>>) dst(%dma_wait3A_212 : memref<832x64xf32, #tpu.memory_space<vmem>>)
    %add3A_220 = arith.constant 2496 : i32
    %add3A_221 = arith.addi %mul3A_2, %add3A_220 : i32
    %dma_start3A_222 = arith.constant 1 : i32
    %dma_start3A_223 = arith.constant 1 : i32
    %dma_start3A_224 = arith.constant 0 : i32
    %dma_start3A_225 = arith.constant 0 : i32
    %dma_start3A_226 = tpu.memref_slice %arg6[%dma_start3A_222, %dma_start3A_224, %dma_start3A_225] : memref<2x832x64xf32, #tpu.memory_space<vmem>> -> memref<1x832x64xf32, #tpu.memory_space<vmem>>
    %dma_start3A_227 = tpu.memref_squeeze %dma_start3A_226 : memref<1x832x64xf32, #tpu.memory_space<vmem>> -> memref<832x64xf32, #tpu.memory_space<vmem>>
    %dma_start3A_228 = arith.constant 0 : i32
    %dma_start3A_229 = tpu.memref_slice %arg4[%add3A_221, %dma_start3A_228] : memref<425984x64xf32, #tpu.memory_space<hbm>> -> memref<832x64xf32, #tpu.memory_space<hbm>>
    %dma_start3A_230 = tpu.memref_slice %arg8[%dma_start3A_223] : memref<2x!tpu.dma_semaphore, #tpu.memory_space<semaphore_mem>> -> memref<1x!tpu.dma_semaphore, #tpu.memory_space<semaphore_mem>>
    %dma_start3A_231 = tpu.memref_squeeze %dma_start3A_230 : memref<1x!tpu.dma_semaphore, #tpu.memory_space<semaphore_mem>> -> memref<!tpu.dma_semaphore, #tpu.memory_space<semaphore_mem>>
    %dma_start3A_232 = arith.constant 0 : i32
    %dma_start3A_233 = tpu.memref_slice %arg4[%add3A_221, %dma_start3A_232] : memref<425984x64xf32, #tpu.memory_space<hbm>> -> memref<832x64xf32, #tpu.memory_space<hbm>>
    %dma_start3A_234 = arith.constant 0 : i32
    %dma_start3A_235 = arith.constant 0 : i32
    %dma_start3A_236 = tpu.memref_slice %arg6[%dma_start3A_222, %dma_start3A_234, %dma_start3A_235] : memref<2x832x64xf32, #tpu.memory_space<vmem>> -> memref<1x832x64xf32, #tpu.memory_space<vmem>>
    %dma_start3A_237 = tpu.memref_squeeze %dma_start3A_236 : memref<1x832x64xf32, #tpu.memory_space<vmem>> -> memref<832x64xf32, #tpu.memory_space<vmem>>
    tpu.enqueue_dma source(%dma_start3A_237 : memref<832x64xf32, #tpu.memory_space<vmem>>) target(%dma_start3A_233 : memref<832x64xf32, #tpu.memory_space<hbm>>) target_semaphore(%dma_start3A_231 : memref<!tpu.dma_semaphore, #tpu.memory_space<semaphore_mem>>)
    %dma_wait3A_238 = arith.constant 1 : i32
    %dma_wait3A_239 = arith.constant 1 : i32
    %dma_wait3A_240 = arith.constant 0 : i32
    %dma_wait3A_241 = arith.constant 0 : i32
    %dma_wait3A_242 = tpu.memref_slice %arg6[%dma_wait3A_238, %dma_wait3A_240, %dma_wait3A_241] : memref<2x832x64xf32, #tpu.memory_space<vmem>> -> memref<1x832x64xf32, #tpu.memory_space<vmem>>
    %dma_wait3A_243 = tpu.memref_squeeze %dma_wait3A_242 : memref<1x832x64xf32, #tpu.memory_space<vmem>> -> memref<832x64xf32, #tpu.memory_space<vmem>>
    %dma_wait3A_244 = arith.constant 0 : i32
    %dma_wait3A_245 = tpu.memref_slice %arg4[%add3A_221, %dma_wait3A_244] : memref<425984x64xf32, #tpu.memory_space<hbm>> -> memref<832x64xf32, #tpu.memory_space<hbm>>
    %dma_wait3A_246 = tpu.memref_slice %arg8[%dma_wait3A_239] : memref<2x!tpu.dma_semaphore, #tpu.memory_space<semaphore_mem>> -> memref<1x!tpu.dma_semaphore, #tpu.memory_space<semaphore_mem>>
    %dma_wait3A_247 = tpu.memref_squeeze %dma_wait3A_246 : memref<1x!tpu.dma_semaphore, #tpu.memory_space<semaphore_mem>> -> memref<!tpu.dma_semaphore, #tpu.memory_space<semaphore_mem>>
    %dma_wait3A_248 = arith.constant 0 : i32
    %dma_wait3A_249 = tpu.memref_slice %arg4[%add3A_221, %dma_wait3A_248] : memref<425984x64xf32, #tpu.memory_space<hbm>> -> memref<832x64xf32, #tpu.memory_space<hbm>>
    %dma_wait3A_250 = arith.constant 0 : i32
    %dma_wait3A_251 = arith.constant 0 : i32
    %dma_wait3A_252 = tpu.memref_slice %arg6[%dma_wait3A_238, %dma_wait3A_250, %dma_wait3A_251] : memref<2x832x64xf32, #tpu.memory_space<vmem>> -> memref<1x832x64xf32, #tpu.memory_space<vmem>>
    %dma_wait3A_253 = tpu.memref_squeeze %dma_wait3A_252 : memref<1x832x64xf32, #tpu.memory_space<vmem>> -> memref<832x64xf32, #tpu.memory_space<vmem>>
    tpu.wait_dma2 semaphore(%dma_wait3A_247 : memref<!tpu.dma_semaphore, #tpu.memory_space<semaphore_mem>>) src(%dma_wait3A_253 : memref<832x64xf32, #tpu.memory_space<vmem>>) dst(%dma_wait3A_249 : memref<832x64xf32, #tpu.memory_space<hbm>>)
    %dma_start3A_254 = arith.constant 1 : i32
    %dma_start3A_255 = arith.constant 1 : i32
    %dma_start3A_256 = arith.constant 0 : i32
    %dma_start3A_257 = arith.constant 0 : i32
    %dma_start3A_258 = tpu.memref_slice %arg6[%dma_start3A_254, %dma_start3A_256, %dma_start3A_257] : memref<2x832x64xf32, #tpu.memory_space<vmem>> -> memref<1x832x64xf32, #tpu.memory_space<vmem>>
    %dma_start3A_259 = tpu.memref_squeeze %dma_start3A_258 : memref<1x832x64xf32, #tpu.memory_space<vmem>> -> memref<832x64xf32, #tpu.memory_space<vmem>>
    %dma_start3A_260 = arith.constant 4160 : i32
    %dma_start3A_261 = tpu.memref_slice %arg5[%dma_start3A_260] : memref<13312xi32, #tpu.memory_space<vmem>> -> memref<832xi32, #tpu.memory_space<vmem>>
    %dma_start3A_262 = arith.constant 0 : i32
    %dma_start3A_263 = arith.constant 0 : i32
    %dma_start3A_264 = tpu.memref_slice %arg3[%dma_start3A_262, %dma_start3A_263] : memref<1000000x64xf32, #tpu.memory_space<hbm>> -> memref<1000000x64xf32, #tpu.memory_space<hbm>>
    %dma_start3A_265 = tpu.memref_slice %arg7[%dma_start3A_255] : memref<2x!tpu.dma_semaphore, #tpu.memory_space<semaphore_mem>> -> memref<1x!tpu.dma_semaphore, #tpu.memory_space<semaphore_mem>>
    %dma_start3A_266 = tpu.memref_squeeze %dma_start3A_265 : memref<1x!tpu.dma_semaphore, #tpu.memory_space<semaphore_mem>> -> memref<!tpu.dma_semaphore, #tpu.memory_space<semaphore_mem>>
    tpu.enqueue_indirect_dma source(%dma_start3A_264 : memref<1000000x64xf32, #tpu.memory_space<hbm>>) target(%dma_start3A_259 : memref<832x64xf32, #tpu.memory_space<vmem>>) offsets(%dma_start3A_261 : memref<832xi32, #tpu.memory_space<vmem>>) semaphore(%dma_start3A_266 : memref<!tpu.dma_semaphore, #tpu.memory_space<semaphore_mem>>)
    %dma_wait3A_267 = arith.constant 0 : i32
    %dma_wait3A_268 = arith.constant 0 : i32
    %dma_wait3A_269 = arith.constant 0 : i32
    %dma_wait3A_270 = arith.constant 0 : i32
    %dma_wait3A_271 = tpu.memref_slice %arg6[%dma_wait3A_267, %dma_wait3A_269, %dma_wait3A_270] : memref<2x832x64xf32, #tpu.memory_space<vmem>> -> memref<1x832x64xf32, #tpu.memory_space<vmem>>
    %dma_wait3A_272 = tpu.memref_squeeze %dma_wait3A_271 : memref<1x832x64xf32, #tpu.memory_space<vmem>> -> memref<832x64xf32, #tpu.memory_space<vmem>>
    %dma_wait3A_273 = arith.constant 3328 : i32
    %dma_wait3A_274 = tpu.memref_slice %arg5[%dma_wait3A_273] : memref<13312xi32, #tpu.memory_space<vmem>> -> memref<832xi32, #tpu.memory_space<vmem>>
    %dma_wait3A_275 = arith.constant 0 : i32
    %dma_wait3A_276 = arith.constant 0 : i32
    %dma_wait3A_277 = tpu.memref_slice %arg3[%dma_wait3A_275, %dma_wait3A_276] : memref<1000000x64xf32, #tpu.memory_space<hbm>> -> memref<1000000x64xf32, #tpu.memory_space<hbm>>
    %dma_wait3A_278 = tpu.memref_slice %arg7[%dma_wait3A_268] : memref<2x!tpu.dma_semaphore, #tpu.memory_space<semaphore_mem>> -> memref<1x!tpu.dma_semaphore, #tpu.memory_space<semaphore_mem>>
    %dma_wait3A_279 = tpu.memref_squeeze %dma_wait3A_278 : memref<1x!tpu.dma_semaphore, #tpu.memory_space<semaphore_mem>> -> memref<!tpu.dma_semaphore, #tpu.memory_space<semaphore_mem>>
    tpu.wait_indirect_dma semaphore(%dma_wait3A_279 : memref<!tpu.dma_semaphore, #tpu.memory_space<semaphore_mem>>) src(%dma_wait3A_277 : memref<1000000x64xf32, #tpu.memory_space<hbm>>) dst(%dma_wait3A_272 : memref<832x64xf32, #tpu.memory_space<vmem>>)
    %add3A_280 = arith.constant 3328 : i32
    %add3A_281 = arith.addi %mul3A_2, %add3A_280 : i32
    %dma_start3A_282 = arith.constant 0 : i32
    %dma_start3A_283 = arith.constant 0 : i32
    %dma_start3A_284 = arith.constant 0 : i32
    %dma_start3A_285 = arith.constant 0 : i32
    %dma_start3A_286 = tpu.memref_slice %arg6[%dma_start3A_282, %dma_start3A_284, %dma_start3A_285] : memref<2x832x64xf32, #tpu.memory_space<vmem>> -> memref<1x832x64xf32, #tpu.memory_space<vmem>>
    %dma_start3A_287 = tpu.memref_squeeze %dma_start3A_286 : memref<1x832x64xf32, #tpu.memory_space<vmem>> -> memref<832x64xf32, #tpu.memory_space<vmem>>
    %dma_start3A_288 = arith.constant 0 : i32
    %dma_start3A_289 = tpu.memref_slice %arg4[%add3A_281, %dma_start3A_288] : memref<425984x64xf32, #tpu.memory_space<hbm>> -> memref<832x64xf32, #tpu.memory_space<hbm>>
    %dma_start3A_290 = tpu.memref_slice %arg8[%dma_start3A_283] : memref<2x!tpu.dma_semaphore, #tpu.memory_space<semaphore_mem>> -> memref<1x!tpu.dma_semaphore, #tpu.memory_space<semaphore_mem>>
    %dma_start3A_291 = tpu.memref_squeeze %dma_start3A_290 : memref<1x!tpu.dma_semaphore, #tpu.memory_space<semaphore_mem>> -> memref<!tpu.dma_semaphore, #tpu.memory_space<semaphore_mem>>
    %dma_start3A_292 = arith.constant 0 : i32
    %dma_start3A_293 = tpu.memref_slice %arg4[%add3A_281, %dma_start3A_292] : memref<425984x64xf32, #tpu.memory_space<hbm>> -> memref<832x64xf32, #tpu.memory_space<hbm>>
    %dma_start3A_294 = arith.constant 0 : i32
    %dma_start3A_295 = arith.constant 0 : i32
    %dma_start3A_296 = tpu.memref_slice %arg6[%dma_start3A_282, %dma_start3A_294, %dma_start3A_295] : memref<2x832x64xf32, #tpu.memory_space<vmem>> -> memref<1x832x64xf32, #tpu.memory_space<vmem>>
    %dma_start3A_297 = tpu.memref_squeeze %dma_start3A_296 : memref<1x832x64xf32, #tpu.memory_space<vmem>> -> memref<832x64xf32, #tpu.memory_space<vmem>>
    tpu.enqueue_dma source(%dma_start3A_297 : memref<832x64xf32, #tpu.memory_space<vmem>>) target(%dma_start3A_293 : memref<832x64xf32, #tpu.memory_space<hbm>>) target_semaphore(%dma_start3A_291 : memref<!tpu.dma_semaphore, #tpu.memory_space<semaphore_mem>>)
    %dma_wait3A_298 = arith.constant 0 : i32
    %dma_wait3A_299 = arith.constant 0 : i32
    %dma_wait3A_300 = arith.constant 0 : i32
    %dma_wait3A_301 = arith.constant 0 : i32
    %dma_wait3A_302 = tpu.memref_slice %arg6[%dma_wait3A_298, %dma_wait3A_300, %dma_wait3A_301] : memref<2x832x64xf32, #tpu.memory_space<vmem>> -> memref<1x832x64xf32, #tpu.memory_space<vmem>>
    %dma_wait3A_303 = tpu.memref_squeeze %dma_wait3A_302 : memref<1x832x64xf32, #tpu.memory_space<vmem>> -> memref<832x64xf32, #tpu.memory_space<vmem>>
    %dma_wait3A_304 = arith.constant 0 : i32
    %dma_wait3A_305 = tpu.memref_slice %arg4[%add3A_281, %dma_wait3A_304] : memref<425984x64xf32, #tpu.memory_space<hbm>> -> memref<832x64xf32, #tpu.memory_space<hbm>>
    %dma_wait3A_306 = tpu.memref_slice %arg8[%dma_wait3A_299] : memref<2x!tpu.dma_semaphore, #tpu.memory_space<semaphore_mem>> -> memref<1x!tpu.dma_semaphore, #tpu.memory_space<semaphore_mem>>
    %dma_wait3A_307 = tpu.memref_squeeze %dma_wait3A_306 : memref<1x!tpu.dma_semaphore, #tpu.memory_space<semaphore_mem>> -> memref<!tpu.dma_semaphore, #tpu.memory_space<semaphore_mem>>
    %dma_wait3A_308 = arith.constant 0 : i32
    %dma_wait3A_309 = tpu.memref_slice %arg4[%add3A_281, %dma_wait3A_308] : memref<425984x64xf32, #tpu.memory_space<hbm>> -> memref<832x64xf32, #tpu.memory_space<hbm>>
    %dma_wait3A_310 = arith.constant 0 : i32
    %dma_wait3A_311 = arith.constant 0 : i32
    %dma_wait3A_312 = tpu.memref_slice %arg6[%dma_wait3A_298, %dma_wait3A_310, %dma_wait3A_311] : memref<2x832x64xf32, #tpu.memory_space<vmem>> -> memref<1x832x64xf32, #tpu.memory_space<vmem>>
    %dma_wait3A_313 = tpu.memref_squeeze %dma_wait3A_312 : memref<1x832x64xf32, #tpu.memory_space<vmem>> -> memref<832x64xf32, #tpu.memory_space<vmem>>
    tpu.wait_dma2 semaphore(%dma_wait3A_307 : memref<!tpu.dma_semaphore, #tpu.memory_space<semaphore_mem>>) src(%dma_wait3A_313 : memref<832x64xf32, #tpu.memory_space<vmem>>) dst(%dma_wait3A_309 : memref<832x64xf32, #tpu.memory_space<hbm>>)
    %dma_start3A_314 = arith.constant 0 : i32
    %dma_start3A_315 = arith.constant 0 : i32
    %dma_start3A_316 = arith.constant 0 : i32
    %dma_start3A_317 = arith.constant 0 : i32
    %dma_start3A_318 = tpu.memref_slice %arg6[%dma_start3A_314, %dma_start3A_316, %dma_start3A_317] : memref<2x832x64xf32, #tpu.memory_space<vmem>> -> memref<1x832x64xf32, #tpu.memory_space<vmem>>
    %dma_start3A_319 = tpu.memref_squeeze %dma_start3A_318 : memref<1x832x64xf32, #tpu.memory_space<vmem>> -> memref<832x64xf32, #tpu.memory_space<vmem>>
    %dma_start3A_320 = arith.constant 4992 : i32
    %dma_start3A_321 = tpu.memref_slice %arg5[%dma_start3A_320] : memref<13312xi32, #tpu.memory_space<vmem>> -> memref<832xi32, #tpu.memory_space<vmem>>
    %dma_start3A_322 = arith.constant 0 : i32
    %dma_start3A_323 = arith.constant 0 : i32
    %dma_start3A_324 = tpu.memref_slice %arg3[%dma_start3A_322, %dma_start3A_323] : memref<1000000x64xf32, #tpu.memory_space<hbm>> -> memref<1000000x64xf32, #tpu.memory_space<hbm>>
    %dma_start3A_325 = tpu.memref_slice %arg7[%dma_start3A_315] : memref<2x!tpu.dma_semaphore, #tpu.memory_space<semaphore_mem>> -> memref<1x!tpu.dma_semaphore, #tpu.memory_space<semaphore_mem>>
    %dma_start3A_326 = tpu.memref_squeeze %dma_start3A_325 : memref<1x!tpu.dma_semaphore, #tpu.memory_space<semaphore_mem>> -> memref<!tpu.dma_semaphore, #tpu.memory_space<semaphore_mem>>
    tpu.enqueue_indirect_dma source(%dma_start3A_324 : memref<1000000x64xf32, #tpu.memory_space<hbm>>) target(%dma_start3A_319 : memref<832x64xf32, #tpu.memory_space<vmem>>) offsets(%dma_start3A_321 : memref<832xi32, #tpu.memory_space<vmem>>) semaphore(%dma_start3A_326 : memref<!tpu.dma_semaphore, #tpu.memory_space<semaphore_mem>>)
    %dma_wait3A_327 = arith.constant 1 : i32
    %dma_wait3A_328 = arith.constant 1 : i32
    %dma_wait3A_329 = arith.constant 0 : i32
    %dma_wait3A_330 = arith.constant 0 : i32
    %dma_wait3A_331 = tpu.memref_slice %arg6[%dma_wait3A_327, %dma_wait3A_329, %dma_wait3A_330] : memref<2x832x64xf32, #tpu.memory_space<vmem>> -> memref<1x832x64xf32, #tpu.memory_space<vmem>>
    %dma_wait3A_332 = tpu.memref_squeeze %dma_wait3A_331 : memref<1x832x64xf32, #tpu.memory_space<vmem>> -> memref<832x64xf32, #tpu.memory_space<vmem>>
    %dma_wait3A_333 = arith.constant 4160 : i32
    %dma_wait3A_334 = tpu.memref_slice %arg5[%dma_wait3A_333] : memref<13312xi32, #tpu.memory_space<vmem>> -> memref<832xi32, #tpu.memory_space<vmem>>
    %dma_wait3A_335 = arith.constant 0 : i32
    %dma_wait3A_336 = arith.constant 0 : i32
    %dma_wait3A_337 = tpu.memref_slice %arg3[%dma_wait3A_335, %dma_wait3A_336] : memref<1000000x64xf32, #tpu.memory_space<hbm>> -> memref<1000000x64xf32, #tpu.memory_space<hbm>>
    %dma_wait3A_338 = tpu.memref_slice %arg7[%dma_wait3A_328] : memref<2x!tpu.dma_semaphore, #tpu.memory_space<semaphore_mem>> -> memref<1x!tpu.dma_semaphore, #tpu.memory_space<semaphore_mem>>
    %dma_wait3A_339 = tpu.memref_squeeze %dma_wait3A_338 : memref<1x!tpu.dma_semaphore, #tpu.memory_space<semaphore_mem>> -> memref<!tpu.dma_semaphore, #tpu.memory_space<semaphore_mem>>
    tpu.wait_indirect_dma semaphore(%dma_wait3A_339 : memref<!tpu.dma_semaphore, #tpu.memory_space<semaphore_mem>>) src(%dma_wait3A_337 : memref<1000000x64xf32, #tpu.memory_space<hbm>>) dst(%dma_wait3A_332 : memref<832x64xf32, #tpu.memory_space<vmem>>)
    %add3A_340 = arith.constant 4160 : i32
    %add3A_341 = arith.addi %mul3A_2, %add3A_340 : i32
    %dma_start3A_342 = arith.constant 1 : i32
    %dma_start3A_343 = arith.constant 1 : i32
    %dma_start3A_344 = arith.constant 0 : i32
    %dma_start3A_345 = arith.constant 0 : i32
    %dma_start3A_346 = tpu.memref_slice %arg6[%dma_start3A_342, %dma_start3A_344, %dma_start3A_345] : memref<2x832x64xf32, #tpu.memory_space<vmem>> -> memref<1x832x64xf32, #tpu.memory_space<vmem>>
    %dma_start3A_347 = tpu.memref_squeeze %dma_start3A_346 : memref<1x832x64xf32, #tpu.memory_space<vmem>> -> memref<832x64xf32, #tpu.memory_space<vmem>>
    %dma_start3A_348 = arith.constant 0 : i32
    %dma_start3A_349 = tpu.memref_slice %arg4[%add3A_341, %dma_start3A_348] : memref<425984x64xf32, #tpu.memory_space<hbm>> -> memref<832x64xf32, #tpu.memory_space<hbm>>
    %dma_start3A_350 = tpu.memref_slice %arg8[%dma_start3A_343] : memref<2x!tpu.dma_semaphore, #tpu.memory_space<semaphore_mem>> -> memref<1x!tpu.dma_semaphore, #tpu.memory_space<semaphore_mem>>
    %dma_start3A_351 = tpu.memref_squeeze %dma_start3A_350 : memref<1x!tpu.dma_semaphore, #tpu.memory_space<semaphore_mem>> -> memref<!tpu.dma_semaphore, #tpu.memory_space<semaphore_mem>>
    %dma_start3A_352 = arith.constant 0 : i32
    %dma_start3A_353 = tpu.memref_slice %arg4[%add3A_341, %dma_start3A_352] : memref<425984x64xf32, #tpu.memory_space<hbm>> -> memref<832x64xf32, #tpu.memory_space<hbm>>
    %dma_start3A_354 = arith.constant 0 : i32
    %dma_start3A_355 = arith.constant 0 : i32
    %dma_start3A_356 = tpu.memref_slice %arg6[%dma_start3A_342, %dma_start3A_354, %dma_start3A_355] : memref<2x832x64xf32, #tpu.memory_space<vmem>> -> memref<1x832x64xf32, #tpu.memory_space<vmem>>
    %dma_start3A_357 = tpu.memref_squeeze %dma_start3A_356 : memref<1x832x64xf32, #tpu.memory_space<vmem>> -> memref<832x64xf32, #tpu.memory_space<vmem>>
    tpu.enqueue_dma source(%dma_start3A_357 : memref<832x64xf32, #tpu.memory_space<vmem>>) target(%dma_start3A_353 : memref<832x64xf32, #tpu.memory_space<hbm>>) target_semaphore(%dma_start3A_351 : memref<!tpu.dma_semaphore, #tpu.memory_space<semaphore_mem>>)
    %dma_wait3A_358 = arith.constant 1 : i32
    %dma_wait3A_359 = arith.constant 1 : i32
    %dma_wait3A_360 = arith.constant 0 : i32
    %dma_wait3A_361 = arith.constant 0 : i32
    %dma_wait3A_362 = tpu.memref_slice %arg6[%dma_wait3A_358, %dma_wait3A_360, %dma_wait3A_361] : memref<2x832x64xf32, #tpu.memory_space<vmem>> -> memref<1x832x64xf32, #tpu.memory_space<vmem>>
    %dma_wait3A_363 = tpu.memref_squeeze %dma_wait3A_362 : memref<1x832x64xf32, #tpu.memory_space<vmem>> -> memref<832x64xf32, #tpu.memory_space<vmem>>
    %dma_wait3A_364 = arith.constant 0 : i32
    %dma_wait3A_365 = tpu.memref_slice %arg4[%add3A_341, %dma_wait3A_364] : memref<425984x64xf32, #tpu.memory_space<hbm>> -> memref<832x64xf32, #tpu.memory_space<hbm>>
    %dma_wait3A_366 = tpu.memref_slice %arg8[%dma_wait3A_359] : memref<2x!tpu.dma_semaphore, #tpu.memory_space<semaphore_mem>> -> memref<1x!tpu.dma_semaphore, #tpu.memory_space<semaphore_mem>>
    %dma_wait3A_367 = tpu.memref_squeeze %dma_wait3A_366 : memref<1x!tpu.dma_semaphore, #tpu.memory_space<semaphore_mem>> -> memref<!tpu.dma_semaphore, #tpu.memory_space<semaphore_mem>>
    %dma_wait3A_368 = arith.constant 0 : i32
    %dma_wait3A_369 = tpu.memref_slice %arg4[%add3A_341, %dma_wait3A_368] : memref<425984x64xf32, #tpu.memory_space<hbm>> -> memref<832x64xf32, #tpu.memory_space<hbm>>
    %dma_wait3A_370 = arith.constant 0 : i32
    %dma_wait3A_371 = arith.constant 0 : i32
    %dma_wait3A_372 = tpu.memref_slice %arg6[%dma_wait3A_358, %dma_wait3A_370, %dma_wait3A_371] : memref<2x832x64xf32, #tpu.memory_space<vmem>> -> memref<1x832x64xf32, #tpu.memory_space<vmem>>
    %dma_wait3A_373 = tpu.memref_squeeze %dma_wait3A_372 : memref<1x832x64xf32, #tpu.memory_space<vmem>> -> memref<832x64xf32, #tpu.memory_space<vmem>>
    tpu.wait_dma2 semaphore(%dma_wait3A_367 : memref<!tpu.dma_semaphore, #tpu.memory_space<semaphore_mem>>) src(%dma_wait3A_373 : memref<832x64xf32, #tpu.memory_space<vmem>>) dst(%dma_wait3A_369 : memref<832x64xf32, #tpu.memory_space<hbm>>)
    %dma_start3A_374 = arith.constant 1 : i32
    %dma_start3A_375 = arith.constant 1 : i32
    %dma_start3A_376 = arith.constant 0 : i32
    %dma_start3A_377 = arith.constant 0 : i32
    %dma_start3A_378 = tpu.memref_slice %arg6[%dma_start3A_374, %dma_start3A_376, %dma_start3A_377] : memref<2x832x64xf32, #tpu.memory_space<vmem>> -> memref<1x832x64xf32, #tpu.memory_space<vmem>>
    %dma_start3A_379 = tpu.memref_squeeze %dma_start3A_378 : memref<1x832x64xf32, #tpu.memory_space<vmem>> -> memref<832x64xf32, #tpu.memory_space<vmem>>
    %dma_start3A_380 = arith.constant 5824 : i32
    %dma_start3A_381 = tpu.memref_slice %arg5[%dma_start3A_380] : memref<13312xi32, #tpu.memory_space<vmem>> -> memref<832xi32, #tpu.memory_space<vmem>>
    %dma_start3A_382 = arith.constant 0 : i32
    %dma_start3A_383 = arith.constant 0 : i32
    %dma_start3A_384 = tpu.memref_slice %arg3[%dma_start3A_382, %dma_start3A_383] : memref<1000000x64xf32, #tpu.memory_space<hbm>> -> memref<1000000x64xf32, #tpu.memory_space<hbm>>
    %dma_start3A_385 = tpu.memref_slice %arg7[%dma_start3A_375] : memref<2x!tpu.dma_semaphore, #tpu.memory_space<semaphore_mem>> -> memref<1x!tpu.dma_semaphore, #tpu.memory_space<semaphore_mem>>
    %dma_start3A_386 = tpu.memref_squeeze %dma_start3A_385 : memref<1x!tpu.dma_semaphore, #tpu.memory_space<semaphore_mem>> -> memref<!tpu.dma_semaphore, #tpu.memory_space<semaphore_mem>>
    tpu.enqueue_indirect_dma source(%dma_start3A_384 : memref<1000000x64xf32, #tpu.memory_space<hbm>>) target(%dma_start3A_379 : memref<832x64xf32, #tpu.memory_space<vmem>>) offsets(%dma_start3A_381 : memref<832xi32, #tpu.memory_space<vmem>>) semaphore(%dma_start3A_386 : memref<!tpu.dma_semaphore, #tpu.memory_space<semaphore_mem>>)
    %dma_wait3A_387 = arith.constant 0 : i32
    %dma_wait3A_388 = arith.constant 0 : i32
    %dma_wait3A_389 = arith.constant 0 : i32
    %dma_wait3A_390 = arith.constant 0 : i32
    %dma_wait3A_391 = tpu.memref_slice %arg6[%dma_wait3A_387, %dma_wait3A_389, %dma_wait3A_390] : memref<2x832x64xf32, #tpu.memory_space<vmem>> -> memref<1x832x64xf32, #tpu.memory_space<vmem>>
    %dma_wait3A_392 = tpu.memref_squeeze %dma_wait3A_391 : memref<1x832x64xf32, #tpu.memory_space<vmem>> -> memref<832x64xf32, #tpu.memory_space<vmem>>
    %dma_wait3A_393 = arith.constant 4992 : i32
    %dma_wait3A_394 = tpu.memref_slice %arg5[%dma_wait3A_393] : memref<13312xi32, #tpu.memory_space<vmem>> -> memref<832xi32, #tpu.memory_space<vmem>>
    %dma_wait3A_395 = arith.constant 0 : i32
    %dma_wait3A_396 = arith.constant 0 : i32
    %dma_wait3A_397 = tpu.memref_slice %arg3[%dma_wait3A_395, %dma_wait3A_396] : memref<1000000x64xf32, #tpu.memory_space<hbm>> -> memref<1000000x64xf32, #tpu.memory_space<hbm>>
    %dma_wait3A_398 = tpu.memref_slice %arg7[%dma_wait3A_388] : memref<2x!tpu.dma_semaphore, #tpu.memory_space<semaphore_mem>> -> memref<1x!tpu.dma_semaphore, #tpu.memory_space<semaphore_mem>>
    %dma_wait3A_399 = tpu.memref_squeeze %dma_wait3A_398 : memref<1x!tpu.dma_semaphore, #tpu.memory_space<semaphore_mem>> -> memref<!tpu.dma_semaphore, #tpu.memory_space<semaphore_mem>>
    tpu.wait_indirect_dma semaphore(%dma_wait3A_399 : memref<!tpu.dma_semaphore, #tpu.memory_space<semaphore_mem>>) src(%dma_wait3A_397 : memref<1000000x64xf32, #tpu.memory_space<hbm>>) dst(%dma_wait3A_392 : memref<832x64xf32, #tpu.memory_space<vmem>>)
    %add3A_400 = arith.constant 4992 : i32
    %add3A_401 = arith.addi %mul3A_2, %add3A_400 : i32
    %dma_start3A_402 = arith.constant 0 : i32
    %dma_start3A_403 = arith.constant 0 : i32
    %dma_start3A_404 = arith.constant 0 : i32
    %dma_start3A_405 = arith.constant 0 : i32
    %dma_start3A_406 = tpu.memref_slice %arg6[%dma_start3A_402, %dma_start3A_404, %dma_start3A_405] : memref<2x832x64xf32, #tpu.memory_space<vmem>> -> memref<1x832x64xf32, #tpu.memory_space<vmem>>
    %dma_start3A_407 = tpu.memref_squeeze %dma_start3A_406 : memref<1x832x64xf32, #tpu.memory_space<vmem>> -> memref<832x64xf32, #tpu.memory_space<vmem>>
    %dma_start3A_408 = arith.constant 0 : i32
    %dma_start3A_409 = tpu.memref_slice %arg4[%add3A_401, %dma_start3A_408] : memref<425984x64xf32, #tpu.memory_space<hbm>> -> memref<832x64xf32, #tpu.memory_space<hbm>>
    %dma_start3A_410 = tpu.memref_slice %arg8[%dma_start3A_403] : memref<2x!tpu.dma_semaphore, #tpu.memory_space<semaphore_mem>> -> memref<1x!tpu.dma_semaphore, #tpu.memory_space<semaphore_mem>>
    %dma_start3A_411 = tpu.memref_squeeze %dma_start3A_410 : memref<1x!tpu.dma_semaphore, #tpu.memory_space<semaphore_mem>> -> memref<!tpu.dma_semaphore, #tpu.memory_space<semaphore_mem>>
    %dma_start3A_412 = arith.constant 0 : i32
    %dma_start3A_413 = tpu.memref_slice %arg4[%add3A_401, %dma_start3A_412] : memref<425984x64xf32, #tpu.memory_space<hbm>> -> memref<832x64xf32, #tpu.memory_space<hbm>>
    %dma_start3A_414 = arith.constant 0 : i32
    %dma_start3A_415 = arith.constant 0 : i32
    %dma_start3A_416 = tpu.memref_slice %arg6[%dma_start3A_402, %dma_start3A_414, %dma_start3A_415] : memref<2x832x64xf32, #tpu.memory_space<vmem>> -> memref<1x832x64xf32, #tpu.memory_space<vmem>>
    %dma_start3A_417 = tpu.memref_squeeze %dma_start3A_416 : memref<1x832x64xf32, #tpu.memory_space<vmem>> -> memref<832x64xf32, #tpu.memory_space<vmem>>
    tpu.enqueue_dma source(%dma_start3A_417 : memref<832x64xf32, #tpu.memory_space<vmem>>) target(%dma_start3A_413 : memref<832x64xf32, #tpu.memory_space<hbm>>) target_semaphore(%dma_start3A_411 : memref<!tpu.dma_semaphore, #tpu.memory_space<semaphore_mem>>)
    %dma_wait3A_418 = arith.constant 0 : i32
    %dma_wait3A_419 = arith.constant 0 : i32
    %dma_wait3A_420 = arith.constant 0 : i32
    %dma_wait3A_421 = arith.constant 0 : i32
    %dma_wait3A_422 = tpu.memref_slice %arg6[%dma_wait3A_418, %dma_wait3A_420, %dma_wait3A_421] : memref<2x832x64xf32, #tpu.memory_space<vmem>> -> memref<1x832x64xf32, #tpu.memory_space<vmem>>
    %dma_wait3A_423 = tpu.memref_squeeze %dma_wait3A_422 : memref<1x832x64xf32, #tpu.memory_space<vmem>> -> memref<832x64xf32, #tpu.memory_space<vmem>>
    %dma_wait3A_424 = arith.constant 0 : i32
    %dma_wait3A_425 = tpu.memref_slice %arg4[%add3A_401, %dma_wait3A_424] : memref<425984x64xf32, #tpu.memory_space<hbm>> -> memref<832x64xf32, #tpu.memory_space<hbm>>
    %dma_wait3A_426 = tpu.memref_slice %arg8[%dma_wait3A_419] : memref<2x!tpu.dma_semaphore, #tpu.memory_space<semaphore_mem>> -> memref<1x!tpu.dma_semaphore, #tpu.memory_space<semaphore_mem>>
    %dma_wait3A_427 = tpu.memref_squeeze %dma_wait3A_426 : memref<1x!tpu.dma_semaphore, #tpu.memory_space<semaphore_mem>> -> memref<!tpu.dma_semaphore, #tpu.memory_space<semaphore_mem>>
    %dma_wait3A_428 = arith.constant 0 : i32
    %dma_wait3A_429 = tpu.memref_slice %arg4[%add3A_401, %dma_wait3A_428] : memref<425984x64xf32, #tpu.memory_space<hbm>> -> memref<832x64xf32, #tpu.memory_space<hbm>>
    %dma_wait3A_430 = arith.constant 0 : i32
    %dma_wait3A_431 = arith.constant 0 : i32
    %dma_wait3A_432 = tpu.memref_slice %arg6[%dma_wait3A_418, %dma_wait3A_430, %dma_wait3A_431] : memref<2x832x64xf32, #tpu.memory_space<vmem>> -> memref<1x832x64xf32, #tpu.memory_space<vmem>>
    %dma_wait3A_433 = tpu.memref_squeeze %dma_wait3A_432 : memref<1x832x64xf32, #tpu.memory_space<vmem>> -> memref<832x64xf32, #tpu.memory_space<vmem>>
    tpu.wait_dma2 semaphore(%dma_wait3A_427 : memref<!tpu.dma_semaphore, #tpu.memory_space<semaphore_mem>>) src(%dma_wait3A_433 : memref<832x64xf32, #tpu.memory_space<vmem>>) dst(%dma_wait3A_429 : memref<832x64xf32, #tpu.memory_space<hbm>>)
    %dma_start3A_434 = arith.constant 0 : i32
    %dma_start3A_435 = arith.constant 0 : i32
    %dma_start3A_436 = arith.constant 0 : i32
    %dma_start3A_437 = arith.constant 0 : i32
    %dma_start3A_438 = tpu.memref_slice %arg6[%dma_start3A_434, %dma_start3A_436, %dma_start3A_437] : memref<2x832x64xf32, #tpu.memory_space<vmem>> -> memref<1x832x64xf32, #tpu.memory_space<vmem>>
    %dma_start3A_439 = tpu.memref_squeeze %dma_start3A_438 : memref<1x832x64xf32, #tpu.memory_space<vmem>> -> memref<832x64xf32, #tpu.memory_space<vmem>>
    %dma_start3A_440 = arith.constant 6656 : i32
    %dma_start3A_441 = tpu.memref_slice %arg5[%dma_start3A_440] : memref<13312xi32, #tpu.memory_space<vmem>> -> memref<832xi32, #tpu.memory_space<vmem>>
    %dma_start3A_442 = arith.constant 0 : i32
    %dma_start3A_443 = arith.constant 0 : i32
    %dma_start3A_444 = tpu.memref_slice %arg3[%dma_start3A_442, %dma_start3A_443] : memref<1000000x64xf32, #tpu.memory_space<hbm>> -> memref<1000000x64xf32, #tpu.memory_space<hbm>>
    %dma_start3A_445 = tpu.memref_slice %arg7[%dma_start3A_435] : memref<2x!tpu.dma_semaphore, #tpu.memory_space<semaphore_mem>> -> memref<1x!tpu.dma_semaphore, #tpu.memory_space<semaphore_mem>>
    %dma_start3A_446 = tpu.memref_squeeze %dma_start3A_445 : memref<1x!tpu.dma_semaphore, #tpu.memory_space<semaphore_mem>> -> memref<!tpu.dma_semaphore, #tpu.memory_space<semaphore_mem>>
    tpu.enqueue_indirect_dma source(%dma_start3A_444 : memref<1000000x64xf32, #tpu.memory_space<hbm>>) target(%dma_start3A_439 : memref<832x64xf32, #tpu.memory_space<vmem>>) offsets(%dma_start3A_441 : memref<832xi32, #tpu.memory_space<vmem>>) semaphore(%dma_start3A_446 : memref<!tpu.dma_semaphore, #tpu.memory_space<semaphore_mem>>)
    %dma_wait3A_447 = arith.constant 1 : i32
    %dma_wait3A_448 = arith.constant 1 : i32
    %dma_wait3A_449 = arith.constant 0 : i32
    %dma_wait3A_450 = arith.constant 0 : i32
    %dma_wait3A_451 = tpu.memref_slice %arg6[%dma_wait3A_447, %dma_wait3A_449, %dma_wait3A_450] : memref<2x832x64xf32, #tpu.memory_space<vmem>> -> memref<1x832x64xf32, #tpu.memory_space<vmem>>
    %dma_wait3A_452 = tpu.memref_squeeze %dma_wait3A_451 : memref<1x832x64xf32, #tpu.memory_space<vmem>> -> memref<832x64xf32, #tpu.memory_space<vmem>>
    %dma_wait3A_453 = arith.constant 5824 : i32
    %dma_wait3A_454 = tpu.memref_slice %arg5[%dma_wait3A_453] : memref<13312xi32, #tpu.memory_space<vmem>> -> memref<832xi32, #tpu.memory_space<vmem>>
    %dma_wait3A_455 = arith.constant 0 : i32
    %dma_wait3A_456 = arith.constant 0 : i32
    %dma_wait3A_457 = tpu.memref_slice %arg3[%dma_wait3A_455, %dma_wait3A_456] : memref<1000000x64xf32, #tpu.memory_space<hbm>> -> memref<1000000x64xf32, #tpu.memory_space<hbm>>
    %dma_wait3A_458 = tpu.memref_slice %arg7[%dma_wait3A_448] : memref<2x!tpu.dma_semaphore, #tpu.memory_space<semaphore_mem>> -> memref<1x!tpu.dma_semaphore, #tpu.memory_space<semaphore_mem>>
    %dma_wait3A_459 = tpu.memref_squeeze %dma_wait3A_458 : memref<1x!tpu.dma_semaphore, #tpu.memory_space<semaphore_mem>> -> memref<!tpu.dma_semaphore, #tpu.memory_space<semaphore_mem>>
    tpu.wait_indirect_dma semaphore(%dma_wait3A_459 : memref<!tpu.dma_semaphore, #tpu.memory_space<semaphore_mem>>) src(%dma_wait3A_457 : memref<1000000x64xf32, #tpu.memory_space<hbm>>) dst(%dma_wait3A_452 : memref<832x64xf32, #tpu.memory_space<vmem>>)
    %add3A_460 = arith.constant 5824 : i32
    %add3A_461 = arith.addi %mul3A_2, %add3A_460 : i32
    %dma_start3A_462 = arith.constant 1 : i32
    %dma_start3A_463 = arith.constant 1 : i32
    %dma_start3A_464 = arith.constant 0 : i32
    %dma_start3A_465 = arith.constant 0 : i32
    %dma_start3A_466 = tpu.memref_slice %arg6[%dma_start3A_462, %dma_start3A_464, %dma_start3A_465] : memref<2x832x64xf32, #tpu.memory_space<vmem>> -> memref<1x832x64xf32, #tpu.memory_space<vmem>>
    %dma_start3A_467 = tpu.memref_squeeze %dma_start3A_466 : memref<1x832x64xf32, #tpu.memory_space<vmem>> -> memref<832x64xf32, #tpu.memory_space<vmem>>
    %dma_start3A_468 = arith.constant 0 : i32
    %dma_start3A_469 = tpu.memref_slice %arg4[%add3A_461, %dma_start3A_468] : memref<425984x64xf32, #tpu.memory_space<hbm>> -> memref<832x64xf32, #tpu.memory_space<hbm>>
    %dma_start3A_470 = tpu.memref_slice %arg8[%dma_start3A_463] : memref<2x!tpu.dma_semaphore, #tpu.memory_space<semaphore_mem>> -> memref<1x!tpu.dma_semaphore, #tpu.memory_space<semaphore_mem>>
    %dma_start3A_471 = tpu.memref_squeeze %dma_start3A_470 : memref<1x!tpu.dma_semaphore, #tpu.memory_space<semaphore_mem>> -> memref<!tpu.dma_semaphore, #tpu.memory_space<semaphore_mem>>
    %dma_start3A_472 = arith.constant 0 : i32
    %dma_start3A_473 = tpu.memref_slice %arg4[%add3A_461, %dma_start3A_472] : memref<425984x64xf32, #tpu.memory_space<hbm>> -> memref<832x64xf32, #tpu.memory_space<hbm>>
    %dma_start3A_474 = arith.constant 0 : i32
    %dma_start3A_475 = arith.constant 0 : i32
    %dma_start3A_476 = tpu.memref_slice %arg6[%dma_start3A_462, %dma_start3A_474, %dma_start3A_475] : memref<2x832x64xf32, #tpu.memory_space<vmem>> -> memref<1x832x64xf32, #tpu.memory_space<vmem>>
    %dma_start3A_477 = tpu.memref_squeeze %dma_start3A_476 : memref<1x832x64xf32, #tpu.memory_space<vmem>> -> memref<832x64xf32, #tpu.memory_space<vmem>>
    tpu.enqueue_dma source(%dma_start3A_477 : memref<832x64xf32, #tpu.memory_space<vmem>>) target(%dma_start3A_473 : memref<832x64xf32, #tpu.memory_space<hbm>>) target_semaphore(%dma_start3A_471 : memref<!tpu.dma_semaphore, #tpu.memory_space<semaphore_mem>>)
    %dma_wait3A_478 = arith.constant 1 : i32
    %dma_wait3A_479 = arith.constant 1 : i32
    %dma_wait3A_480 = arith.constant 0 : i32
    %dma_wait3A_481 = arith.constant 0 : i32
    %dma_wait3A_482 = tpu.memref_slice %arg6[%dma_wait3A_478, %dma_wait3A_480, %dma_wait3A_481] : memref<2x832x64xf32, #tpu.memory_space<vmem>> -> memref<1x832x64xf32, #tpu.memory_space<vmem>>
    %dma_wait3A_483 = tpu.memref_squeeze %dma_wait3A_482 : memref<1x832x64xf32, #tpu.memory_space<vmem>> -> memref<832x64xf32, #tpu.memory_space<vmem>>
    %dma_wait3A_484 = arith.constant 0 : i32
    %dma_wait3A_485 = tpu.memref_slice %arg4[%add3A_461, %dma_wait3A_484] : memref<425984x64xf32, #tpu.memory_space<hbm>> -> memref<832x64xf32, #tpu.memory_space<hbm>>
    %dma_wait3A_486 = tpu.memref_slice %arg8[%dma_wait3A_479] : memref<2x!tpu.dma_semaphore, #tpu.memory_space<semaphore_mem>> -> memref<1x!tpu.dma_semaphore, #tpu.memory_space<semaphore_mem>>
    %dma_wait3A_487 = tpu.memref_squeeze %dma_wait3A_486 : memref<1x!tpu.dma_semaphore, #tpu.memory_space<semaphore_mem>> -> memref<!tpu.dma_semaphore, #tpu.memory_space<semaphore_mem>>
    %dma_wait3A_488 = arith.constant 0 : i32
    %dma_wait3A_489 = tpu.memref_slice %arg4[%add3A_461, %dma_wait3A_488] : memref<425984x64xf32, #tpu.memory_space<hbm>> -> memref<832x64xf32, #tpu.memory_space<hbm>>
    %dma_wait3A_490 = arith.constant 0 : i32
    %dma_wait3A_491 = arith.constant 0 : i32
    %dma_wait3A_492 = tpu.memref_slice %arg6[%dma_wait3A_478, %dma_wait3A_490, %dma_wait3A_491] : memref<2x832x64xf32, #tpu.memory_space<vmem>> -> memref<1x832x64xf32, #tpu.memory_space<vmem>>
    %dma_wait3A_493 = tpu.memref_squeeze %dma_wait3A_492 : memref<1x832x64xf32, #tpu.memory_space<vmem>> -> memref<832x64xf32, #tpu.memory_space<vmem>>
    tpu.wait_dma2 semaphore(%dma_wait3A_487 : memref<!tpu.dma_semaphore, #tpu.memory_space<semaphore_mem>>) src(%dma_wait3A_493 : memref<832x64xf32, #tpu.memory_space<vmem>>) dst(%dma_wait3A_489 : memref<832x64xf32, #tpu.memory_space<hbm>>)
    %dma_start3A_494 = arith.constant 1 : i32
    %dma_start3A_495 = arith.constant 1 : i32
    %dma_start3A_496 = arith.constant 0 : i32
    %dma_start3A_497 = arith.constant 0 : i32
    %dma_start3A_498 = tpu.memref_slice %arg6[%dma_start3A_494, %dma_start3A_496, %dma_start3A_497] : memref<2x832x64xf32, #tpu.memory_space<vmem>> -> memref<1x832x64xf32, #tpu.memory_space<vmem>>
    %dma_start3A_499 = tpu.memref_squeeze %dma_start3A_498 : memref<1x832x64xf32, #tpu.memory_space<vmem>> -> memref<832x64xf32, #tpu.memory_space<vmem>>
    %dma_start3A_500 = arith.constant 7488 : i32
    %dma_start3A_501 = tpu.memref_slice %arg5[%dma_start3A_500] : memref<13312xi32, #tpu.memory_space<vmem>> -> memref<832xi32, #tpu.memory_space<vmem>>
    %dma_start3A_502 = arith.constant 0 : i32
    %dma_start3A_503 = arith.constant 0 : i32
    %dma_start3A_504 = tpu.memref_slice %arg3[%dma_start3A_502, %dma_start3A_503] : memref<1000000x64xf32, #tpu.memory_space<hbm>> -> memref<1000000x64xf32, #tpu.memory_space<hbm>>
    %dma_start3A_505 = tpu.memref_slice %arg7[%dma_start3A_495] : memref<2x!tpu.dma_semaphore, #tpu.memory_space<semaphore_mem>> -> memref<1x!tpu.dma_semaphore, #tpu.memory_space<semaphore_mem>>
    %dma_start3A_506 = tpu.memref_squeeze %dma_start3A_505 : memref<1x!tpu.dma_semaphore, #tpu.memory_space<semaphore_mem>> -> memref<!tpu.dma_semaphore, #tpu.memory_space<semaphore_mem>>
    tpu.enqueue_indirect_dma source(%dma_start3A_504 : memref<1000000x64xf32, #tpu.memory_space<hbm>>) target(%dma_start3A_499 : memref<832x64xf32, #tpu.memory_space<vmem>>) offsets(%dma_start3A_501 : memref<832xi32, #tpu.memory_space<vmem>>) semaphore(%dma_start3A_506 : memref<!tpu.dma_semaphore, #tpu.memory_space<semaphore_mem>>)
    %dma_wait3A_507 = arith.constant 0 : i32
    %dma_wait3A_508 = arith.constant 0 : i32
    %dma_wait3A_509 = arith.constant 0 : i32
    %dma_wait3A_510 = arith.constant 0 : i32
    %dma_wait3A_511 = tpu.memref_slice %arg6[%dma_wait3A_507, %dma_wait3A_509, %dma_wait3A_510] : memref<2x832x64xf32, #tpu.memory_space<vmem>> -> memref<1x832x64xf32, #tpu.memory_space<vmem>>
    %dma_wait3A_512 = tpu.memref_squeeze %dma_wait3A_511 : memref<1x832x64xf32, #tpu.memory_space<vmem>> -> memref<832x64xf32, #tpu.memory_space<vmem>>
    %dma_wait3A_513 = arith.constant 6656 : i32
    %dma_wait3A_514 = tpu.memref_slice %arg5[%dma_wait3A_513] : memref<13312xi32, #tpu.memory_space<vmem>> -> memref<832xi32, #tpu.memory_space<vmem>>
    %dma_wait3A_515 = arith.constant 0 : i32
    %dma_wait3A_516 = arith.constant 0 : i32
    %dma_wait3A_517 = tpu.memref_slice %arg3[%dma_wait3A_515, %dma_wait3A_516] : memref<1000000x64xf32, #tpu.memory_space<hbm>> -> memref<1000000x64xf32, #tpu.memory_space<hbm>>
    %dma_wait3A_518 = tpu.memref_slice %arg7[%dma_wait3A_508] : memref<2x!tpu.dma_semaphore, #tpu.memory_space<semaphore_mem>> -> memref<1x!tpu.dma_semaphore, #tpu.memory_space<semaphore_mem>>
    %dma_wait3A_519 = tpu.memref_squeeze %dma_wait3A_518 : memref<1x!tpu.dma_semaphore, #tpu.memory_space<semaphore_mem>> -> memref<!tpu.dma_semaphore, #tpu.memory_space<semaphore_mem>>
    tpu.wait_indirect_dma semaphore(%dma_wait3A_519 : memref<!tpu.dma_semaphore, #tpu.memory_space<semaphore_mem>>) src(%dma_wait3A_517 : memref<1000000x64xf32, #tpu.memory_space<hbm>>) dst(%dma_wait3A_512 : memref<832x64xf32, #tpu.memory_space<vmem>>)
    %add3A_520 = arith.constant 6656 : i32
    %add3A_521 = arith.addi %mul3A_2, %add3A_520 : i32
    %dma_start3A_522 = arith.constant 0 : i32
    %dma_start3A_523 = arith.constant 0 : i32
    %dma_start3A_524 = arith.constant 0 : i32
    %dma_start3A_525 = arith.constant 0 : i32
    %dma_start3A_526 = tpu.memref_slice %arg6[%dma_start3A_522, %dma_start3A_524, %dma_start3A_525] : memref<2x832x64xf32, #tpu.memory_space<vmem>> -> memref<1x832x64xf32, #tpu.memory_space<vmem>>
    %dma_start3A_527 = tpu.memref_squeeze %dma_start3A_526 : memref<1x832x64xf32, #tpu.memory_space<vmem>> -> memref<832x64xf32, #tpu.memory_space<vmem>>
    %dma_start3A_528 = arith.constant 0 : i32
    %dma_start3A_529 = tpu.memref_slice %arg4[%add3A_521, %dma_start3A_528] : memref<425984x64xf32, #tpu.memory_space<hbm>> -> memref<832x64xf32, #tpu.memory_space<hbm>>
    %dma_start3A_530 = tpu.memref_slice %arg8[%dma_start3A_523] : memref<2x!tpu.dma_semaphore, #tpu.memory_space<semaphore_mem>> -> memref<1x!tpu.dma_semaphore, #tpu.memory_space<semaphore_mem>>
    %dma_start3A_531 = tpu.memref_squeeze %dma_start3A_530 : memref<1x!tpu.dma_semaphore, #tpu.memory_space<semaphore_mem>> -> memref<!tpu.dma_semaphore, #tpu.memory_space<semaphore_mem>>
    %dma_start3A_532 = arith.constant 0 : i32
    %dma_start3A_533 = tpu.memref_slice %arg4[%add3A_521, %dma_start3A_532] : memref<425984x64xf32, #tpu.memory_space<hbm>> -> memref<832x64xf32, #tpu.memory_space<hbm>>
    %dma_start3A_534 = arith.constant 0 : i32
    %dma_start3A_535 = arith.constant 0 : i32
    %dma_start3A_536 = tpu.memref_slice %arg6[%dma_start3A_522, %dma_start3A_534, %dma_start3A_535] : memref<2x832x64xf32, #tpu.memory_space<vmem>> -> memref<1x832x64xf32, #tpu.memory_space<vmem>>
    %dma_start3A_537 = tpu.memref_squeeze %dma_start3A_536 : memref<1x832x64xf32, #tpu.memory_space<vmem>> -> memref<832x64xf32, #tpu.memory_space<vmem>>
    tpu.enqueue_dma source(%dma_start3A_537 : memref<832x64xf32, #tpu.memory_space<vmem>>) target(%dma_start3A_533 : memref<832x64xf32, #tpu.memory_space<hbm>>) target_semaphore(%dma_start3A_531 : memref<!tpu.dma_semaphore, #tpu.memory_space<semaphore_mem>>)
    %dma_wait3A_538 = arith.constant 0 : i32
    %dma_wait3A_539 = arith.constant 0 : i32
    %dma_wait3A_540 = arith.constant 0 : i32
    %dma_wait3A_541 = arith.constant 0 : i32
    %dma_wait3A_542 = tpu.memref_slice %arg6[%dma_wait3A_538, %dma_wait3A_540, %dma_wait3A_541] : memref<2x832x64xf32, #tpu.memory_space<vmem>> -> memref<1x832x64xf32, #tpu.memory_space<vmem>>
    %dma_wait3A_543 = tpu.memref_squeeze %dma_wait3A_542 : memref<1x832x64xf32, #tpu.memory_space<vmem>> -> memref<832x64xf32, #tpu.memory_space<vmem>>
    %dma_wait3A_544 = arith.constant 0 : i32
    %dma_wait3A_545 = tpu.memref_slice %arg4[%add3A_521, %dma_wait3A_544] : memref<425984x64xf32, #tpu.memory_space<hbm>> -> memref<832x64xf32, #tpu.memory_space<hbm>>
    %dma_wait3A_546 = tpu.memref_slice %arg8[%dma_wait3A_539] : memref<2x!tpu.dma_semaphore, #tpu.memory_space<semaphore_mem>> -> memref<1x!tpu.dma_semaphore, #tpu.memory_space<semaphore_mem>>
    %dma_wait3A_547 = tpu.memref_squeeze %dma_wait3A_546 : memref<1x!tpu.dma_semaphore, #tpu.memory_space<semaphore_mem>> -> memref<!tpu.dma_semaphore, #tpu.memory_space<semaphore_mem>>
    %dma_wait3A_548 = arith.constant 0 : i32
    %dma_wait3A_549 = tpu.memref_slice %arg4[%add3A_521, %dma_wait3A_548] : memref<425984x64xf32, #tpu.memory_space<hbm>> -> memref<832x64xf32, #tpu.memory_space<hbm>>
    %dma_wait3A_550 = arith.constant 0 : i32
    %dma_wait3A_551 = arith.constant 0 : i32
    %dma_wait3A_552 = tpu.memref_slice %arg6[%dma_wait3A_538, %dma_wait3A_550, %dma_wait3A_551] : memref<2x832x64xf32, #tpu.memory_space<vmem>> -> memref<1x832x64xf32, #tpu.memory_space<vmem>>
    %dma_wait3A_553 = tpu.memref_squeeze %dma_wait3A_552 : memref<1x832x64xf32, #tpu.memory_space<vmem>> -> memref<832x64xf32, #tpu.memory_space<vmem>>
    tpu.wait_dma2 semaphore(%dma_wait3A_547 : memref<!tpu.dma_semaphore, #tpu.memory_space<semaphore_mem>>) src(%dma_wait3A_553 : memref<832x64xf32, #tpu.memory_space<vmem>>) dst(%dma_wait3A_549 : memref<832x64xf32, #tpu.memory_space<hbm>>)
    %dma_start3A_554 = arith.constant 0 : i32
    %dma_start3A_555 = arith.constant 0 : i32
    %dma_start3A_556 = arith.constant 0 : i32
    %dma_start3A_557 = arith.constant 0 : i32
    %dma_start3A_558 = tpu.memref_slice %arg6[%dma_start3A_554, %dma_start3A_556, %dma_start3A_557] : memref<2x832x64xf32, #tpu.memory_space<vmem>> -> memref<1x832x64xf32, #tpu.memory_space<vmem>>
    %dma_start3A_559 = tpu.memref_squeeze %dma_start3A_558 : memref<1x832x64xf32, #tpu.memory_space<vmem>> -> memref<832x64xf32, #tpu.memory_space<vmem>>
    %dma_start3A_560 = arith.constant 8320 : i32
    %dma_start3A_561 = tpu.memref_slice %arg5[%dma_start3A_560] : memref<13312xi32, #tpu.memory_space<vmem>> -> memref<832xi32, #tpu.memory_space<vmem>>
    %dma_start3A_562 = arith.constant 0 : i32
    %dma_start3A_563 = arith.constant 0 : i32
    %dma_start3A_564 = tpu.memref_slice %arg3[%dma_start3A_562, %dma_start3A_563] : memref<1000000x64xf32, #tpu.memory_space<hbm>> -> memref<1000000x64xf32, #tpu.memory_space<hbm>>
    %dma_start3A_565 = tpu.memref_slice %arg7[%dma_start3A_555] : memref<2x!tpu.dma_semaphore, #tpu.memory_space<semaphore_mem>> -> memref<1x!tpu.dma_semaphore, #tpu.memory_space<semaphore_mem>>
    %dma_start3A_566 = tpu.memref_squeeze %dma_start3A_565 : memref<1x!tpu.dma_semaphore, #tpu.memory_space<semaphore_mem>> -> memref<!tpu.dma_semaphore, #tpu.memory_space<semaphore_mem>>
    tpu.enqueue_indirect_dma source(%dma_start3A_564 : memref<1000000x64xf32, #tpu.memory_space<hbm>>) target(%dma_start3A_559 : memref<832x64xf32, #tpu.memory_space<vmem>>) offsets(%dma_start3A_561 : memref<832xi32, #tpu.memory_space<vmem>>) semaphore(%dma_start3A_566 : memref<!tpu.dma_semaphore, #tpu.memory_space<semaphore_mem>>)
    %dma_wait3A_567 = arith.constant 1 : i32
    %dma_wait3A_568 = arith.constant 1 : i32
    %dma_wait3A_569 = arith.constant 0 : i32
    %dma_wait3A_570 = arith.constant 0 : i32
    %dma_wait3A_571 = tpu.memref_slice %arg6[%dma_wait3A_567, %dma_wait3A_569, %dma_wait3A_570] : memref<2x832x64xf32, #tpu.memory_space<vmem>> -> memref<1x832x64xf32, #tpu.memory_space<vmem>>
    %dma_wait3A_572 = tpu.memref_squeeze %dma_wait3A_571 : memref<1x832x64xf32, #tpu.memory_space<vmem>> -> memref<832x64xf32, #tpu.memory_space<vmem>>
    %dma_wait3A_573 = arith.constant 7488 : i32
    %dma_wait3A_574 = tpu.memref_slice %arg5[%dma_wait3A_573] : memref<13312xi32, #tpu.memory_space<vmem>> -> memref<832xi32, #tpu.memory_space<vmem>>
    %dma_wait3A_575 = arith.constant 0 : i32
    %dma_wait3A_576 = arith.constant 0 : i32
    %dma_wait3A_577 = tpu.memref_slice %arg3[%dma_wait3A_575, %dma_wait3A_576] : memref<1000000x64xf32, #tpu.memory_space<hbm>> -> memref<1000000x64xf32, #tpu.memory_space<hbm>>
    %dma_wait3A_578 = tpu.memref_slice %arg7[%dma_wait3A_568] : memref<2x!tpu.dma_semaphore, #tpu.memory_space<semaphore_mem>> -> memref<1x!tpu.dma_semaphore, #tpu.memory_space<semaphore_mem>>
    %dma_wait3A_579 = tpu.memref_squeeze %dma_wait3A_578 : memref<1x!tpu.dma_semaphore, #tpu.memory_space<semaphore_mem>> -> memref<!tpu.dma_semaphore, #tpu.memory_space<semaphore_mem>>
    tpu.wait_indirect_dma semaphore(%dma_wait3A_579 : memref<!tpu.dma_semaphore, #tpu.memory_space<semaphore_mem>>) src(%dma_wait3A_577 : memref<1000000x64xf32, #tpu.memory_space<hbm>>) dst(%dma_wait3A_572 : memref<832x64xf32, #tpu.memory_space<vmem>>)
    %add3A_580 = arith.constant 7488 : i32
    %add3A_581 = arith.addi %mul3A_2, %add3A_580 : i32
    %dma_start3A_582 = arith.constant 1 : i32
    %dma_start3A_583 = arith.constant 1 : i32
    %dma_start3A_584 = arith.constant 0 : i32
    %dma_start3A_585 = arith.constant 0 : i32
    %dma_start3A_586 = tpu.memref_slice %arg6[%dma_start3A_582, %dma_start3A_584, %dma_start3A_585] : memref<2x832x64xf32, #tpu.memory_space<vmem>> -> memref<1x832x64xf32, #tpu.memory_space<vmem>>
    %dma_start3A_587 = tpu.memref_squeeze %dma_start3A_586 : memref<1x832x64xf32, #tpu.memory_space<vmem>> -> memref<832x64xf32, #tpu.memory_space<vmem>>
    %dma_start3A_588 = arith.constant 0 : i32
    %dma_start3A_589 = tpu.memref_slice %arg4[%add3A_581, %dma_start3A_588] : memref<425984x64xf32, #tpu.memory_space<hbm>> -> memref<832x64xf32, #tpu.memory_space<hbm>>
    %dma_start3A_590 = tpu.memref_slice %arg8[%dma_start3A_583] : memref<2x!tpu.dma_semaphore, #tpu.memory_space<semaphore_mem>> -> memref<1x!tpu.dma_semaphore, #tpu.memory_space<semaphore_mem>>
    %dma_start3A_591 = tpu.memref_squeeze %dma_start3A_590 : memref<1x!tpu.dma_semaphore, #tpu.memory_space<semaphore_mem>> -> memref<!tpu.dma_semaphore, #tpu.memory_space<semaphore_mem>>
    %dma_start3A_592 = arith.constant 0 : i32
    %dma_start3A_593 = tpu.memref_slice %arg4[%add3A_581, %dma_start3A_592] : memref<425984x64xf32, #tpu.memory_space<hbm>> -> memref<832x64xf32, #tpu.memory_space<hbm>>
    %dma_start3A_594 = arith.constant 0 : i32
    %dma_start3A_595 = arith.constant 0 : i32
    %dma_start3A_596 = tpu.memref_slice %arg6[%dma_start3A_582, %dma_start3A_594, %dma_start3A_595] : memref<2x832x64xf32, #tpu.memory_space<vmem>> -> memref<1x832x64xf32, #tpu.memory_space<vmem>>
    %dma_start3A_597 = tpu.memref_squeeze %dma_start3A_596 : memref<1x832x64xf32, #tpu.memory_space<vmem>> -> memref<832x64xf32, #tpu.memory_space<vmem>>
    tpu.enqueue_dma source(%dma_start3A_597 : memref<832x64xf32, #tpu.memory_space<vmem>>) target(%dma_start3A_593 : memref<832x64xf32, #tpu.memory_space<hbm>>) target_semaphore(%dma_start3A_591 : memref<!tpu.dma_semaphore, #tpu.memory_space<semaphore_mem>>)
    %dma_wait3A_598 = arith.constant 1 : i32
    %dma_wait3A_599 = arith.constant 1 : i32
    %dma_wait3A_600 = arith.constant 0 : i32
    %dma_wait3A_601 = arith.constant 0 : i32
    %dma_wait3A_602 = tpu.memref_slice %arg6[%dma_wait3A_598, %dma_wait3A_600, %dma_wait3A_601] : memref<2x832x64xf32, #tpu.memory_space<vmem>> -> memref<1x832x64xf32, #tpu.memory_space<vmem>>
    %dma_wait3A_603 = tpu.memref_squeeze %dma_wait3A_602 : memref<1x832x64xf32, #tpu.memory_space<vmem>> -> memref<832x64xf32, #tpu.memory_space<vmem>>
    %dma_wait3A_604 = arith.constant 0 : i32
    %dma_wait3A_605 = tpu.memref_slice %arg4[%add3A_581, %dma_wait3A_604] : memref<425984x64xf32, #tpu.memory_space<hbm>> -> memref<832x64xf32, #tpu.memory_space<hbm>>
    %dma_wait3A_606 = tpu.memref_slice %arg8[%dma_wait3A_599] : memref<2x!tpu.dma_semaphore, #tpu.memory_space<semaphore_mem>> -> memref<1x!tpu.dma_semaphore, #tpu.memory_space<semaphore_mem>>
    %dma_wait3A_607 = tpu.memref_squeeze %dma_wait3A_606 : memref<1x!tpu.dma_semaphore, #tpu.memory_space<semaphore_mem>> -> memref<!tpu.dma_semaphore, #tpu.memory_space<semaphore_mem>>
    %dma_wait3A_608 = arith.constant 0 : i32
    %dma_wait3A_609 = tpu.memref_slice %arg4[%add3A_581, %dma_wait3A_608] : memref<425984x64xf32, #tpu.memory_space<hbm>> -> memref<832x64xf32, #tpu.memory_space<hbm>>
    %dma_wait3A_610 = arith.constant 0 : i32
    %dma_wait3A_611 = arith.constant 0 : i32
    %dma_wait3A_612 = tpu.memref_slice %arg6[%dma_wait3A_598, %dma_wait3A_610, %dma_wait3A_611] : memref<2x832x64xf32, #tpu.memory_space<vmem>> -> memref<1x832x64xf32, #tpu.memory_space<vmem>>
    %dma_wait3A_613 = tpu.memref_squeeze %dma_wait3A_612 : memref<1x832x64xf32, #tpu.memory_space<vmem>> -> memref<832x64xf32, #tpu.memory_space<vmem>>
    tpu.wait_dma2 semaphore(%dma_wait3A_607 : memref<!tpu.dma_semaphore, #tpu.memory_space<semaphore_mem>>) src(%dma_wait3A_613 : memref<832x64xf32, #tpu.memory_space<vmem>>) dst(%dma_wait3A_609 : memref<832x64xf32, #tpu.memory_space<hbm>>)
    %dma_start3A_614 = arith.constant 1 : i32
    %dma_start3A_615 = arith.constant 1 : i32
    %dma_start3A_616 = arith.constant 0 : i32
    %dma_start3A_617 = arith.constant 0 : i32
    %dma_start3A_618 = tpu.memref_slice %arg6[%dma_start3A_614, %dma_start3A_616, %dma_start3A_617] : memref<2x832x64xf32, #tpu.memory_space<vmem>> -> memref<1x832x64xf32, #tpu.memory_space<vmem>>
    %dma_start3A_619 = tpu.memref_squeeze %dma_start3A_618 : memref<1x832x64xf32, #tpu.memory_space<vmem>> -> memref<832x64xf32, #tpu.memory_space<vmem>>
    %dma_start3A_620 = arith.constant 9152 : i32
    %dma_start3A_621 = tpu.memref_slice %arg5[%dma_start3A_620] : memref<13312xi32, #tpu.memory_space<vmem>> -> memref<832xi32, #tpu.memory_space<vmem>>
    %dma_start3A_622 = arith.constant 0 : i32
    %dma_start3A_623 = arith.constant 0 : i32
    %dma_start3A_624 = tpu.memref_slice %arg3[%dma_start3A_622, %dma_start3A_623] : memref<1000000x64xf32, #tpu.memory_space<hbm>> -> memref<1000000x64xf32, #tpu.memory_space<hbm>>
    %dma_start3A_625 = tpu.memref_slice %arg7[%dma_start3A_615] : memref<2x!tpu.dma_semaphore, #tpu.memory_space<semaphore_mem>> -> memref<1x!tpu.dma_semaphore, #tpu.memory_space<semaphore_mem>>
    %dma_start3A_626 = tpu.memref_squeeze %dma_start3A_625 : memref<1x!tpu.dma_semaphore, #tpu.memory_space<semaphore_mem>> -> memref<!tpu.dma_semaphore, #tpu.memory_space<semaphore_mem>>
    tpu.enqueue_indirect_dma source(%dma_start3A_624 : memref<1000000x64xf32, #tpu.memory_space<hbm>>) target(%dma_start3A_619 : memref<832x64xf32, #tpu.memory_space<vmem>>) offsets(%dma_start3A_621 : memref<832xi32, #tpu.memory_space<vmem>>) semaphore(%dma_start3A_626 : memref<!tpu.dma_semaphore, #tpu.memory_space<semaphore_mem>>)
    %dma_wait3A_627 = arith.constant 0 : i32
    %dma_wait3A_628 = arith.constant 0 : i32
    %dma_wait3A_629 = arith.constant 0 : i32
    %dma_wait3A_630 = arith.constant 0 : i32
    %dma_wait3A_631 = tpu.memref_slice %arg6[%dma_wait3A_627, %dma_wait3A_629, %dma_wait3A_630] : memref<2x832x64xf32, #tpu.memory_space<vmem>> -> memref<1x832x64xf32, #tpu.memory_space<vmem>>
    %dma_wait3A_632 = tpu.memref_squeeze %dma_wait3A_631 : memref<1x832x64xf32, #tpu.memory_space<vmem>> -> memref<832x64xf32, #tpu.memory_space<vmem>>
    %dma_wait3A_633 = arith.constant 8320 : i32
    %dma_wait3A_634 = tpu.memref_slice %arg5[%dma_wait3A_633] : memref<13312xi32, #tpu.memory_space<vmem>> -> memref<832xi32, #tpu.memory_space<vmem>>
    %dma_wait3A_635 = arith.constant 0 : i32
    %dma_wait3A_636 = arith.constant 0 : i32
    %dma_wait3A_637 = tpu.memref_slice %arg3[%dma_wait3A_635, %dma_wait3A_636] : memref<1000000x64xf32, #tpu.memory_space<hbm>> -> memref<1000000x64xf32, #tpu.memory_space<hbm>>
    %dma_wait3A_638 = tpu.memref_slice %arg7[%dma_wait3A_628] : memref<2x!tpu.dma_semaphore, #tpu.memory_space<semaphore_mem>> -> memref<1x!tpu.dma_semaphore, #tpu.memory_space<semaphore_mem>>
    %dma_wait3A_639 = tpu.memref_squeeze %dma_wait3A_638 : memref<1x!tpu.dma_semaphore, #tpu.memory_space<semaphore_mem>> -> memref<!tpu.dma_semaphore, #tpu.memory_space<semaphore_mem>>
    tpu.wait_indirect_dma semaphore(%dma_wait3A_639 : memref<!tpu.dma_semaphore, #tpu.memory_space<semaphore_mem>>) src(%dma_wait3A_637 : memref<1000000x64xf32, #tpu.memory_space<hbm>>) dst(%dma_wait3A_632 : memref<832x64xf32, #tpu.memory_space<vmem>>)
    %add3A_640 = arith.constant 8320 : i32
    %add3A_641 = arith.addi %mul3A_2, %add3A_640 : i32
    %dma_start3A_642 = arith.constant 0 : i32
    %dma_start3A_643 = arith.constant 0 : i32
    %dma_start3A_644 = arith.constant 0 : i32
    %dma_start3A_645 = arith.constant 0 : i32
    %dma_start3A_646 = tpu.memref_slice %arg6[%dma_start3A_642, %dma_start3A_644, %dma_start3A_645] : memref<2x832x64xf32, #tpu.memory_space<vmem>> -> memref<1x832x64xf32, #tpu.memory_space<vmem>>
    %dma_start3A_647 = tpu.memref_squeeze %dma_start3A_646 : memref<1x832x64xf32, #tpu.memory_space<vmem>> -> memref<832x64xf32, #tpu.memory_space<vmem>>
    %dma_start3A_648 = arith.constant 0 : i32
    %dma_start3A_649 = tpu.memref_slice %arg4[%add3A_641, %dma_start3A_648] : memref<425984x64xf32, #tpu.memory_space<hbm>> -> memref<832x64xf32, #tpu.memory_space<hbm>>
    %dma_start3A_650 = tpu.memref_slice %arg8[%dma_start3A_643] : memref<2x!tpu.dma_semaphore, #tpu.memory_space<semaphore_mem>> -> memref<1x!tpu.dma_semaphore, #tpu.memory_space<semaphore_mem>>
    %dma_start3A_651 = tpu.memref_squeeze %dma_start3A_650 : memref<1x!tpu.dma_semaphore, #tpu.memory_space<semaphore_mem>> -> memref<!tpu.dma_semaphore, #tpu.memory_space<semaphore_mem>>
    %dma_start3A_652 = arith.constant 0 : i32
    %dma_start3A_653 = tpu.memref_slice %arg4[%add3A_641, %dma_start3A_652] : memref<425984x64xf32, #tpu.memory_space<hbm>> -> memref<832x64xf32, #tpu.memory_space<hbm>>
    %dma_start3A_654 = arith.constant 0 : i32
    %dma_start3A_655 = arith.constant 0 : i32
    %dma_start3A_656 = tpu.memref_slice %arg6[%dma_start3A_642, %dma_start3A_654, %dma_start3A_655] : memref<2x832x64xf32, #tpu.memory_space<vmem>> -> memref<1x832x64xf32, #tpu.memory_space<vmem>>
    %dma_start3A_657 = tpu.memref_squeeze %dma_start3A_656 : memref<1x832x64xf32, #tpu.memory_space<vmem>> -> memref<832x64xf32, #tpu.memory_space<vmem>>
    tpu.enqueue_dma source(%dma_start3A_657 : memref<832x64xf32, #tpu.memory_space<vmem>>) target(%dma_start3A_653 : memref<832x64xf32, #tpu.memory_space<hbm>>) target_semaphore(%dma_start3A_651 : memref<!tpu.dma_semaphore, #tpu.memory_space<semaphore_mem>>)
    %dma_wait3A_658 = arith.constant 0 : i32
    %dma_wait3A_659 = arith.constant 0 : i32
    %dma_wait3A_660 = arith.constant 0 : i32
    %dma_wait3A_661 = arith.constant 0 : i32
    %dma_wait3A_662 = tpu.memref_slice %arg6[%dma_wait3A_658, %dma_wait3A_660, %dma_wait3A_661] : memref<2x832x64xf32, #tpu.memory_space<vmem>> -> memref<1x832x64xf32, #tpu.memory_space<vmem>>
    %dma_wait3A_663 = tpu.memref_squeeze %dma_wait3A_662 : memref<1x832x64xf32, #tpu.memory_space<vmem>> -> memref<832x64xf32, #tpu.memory_space<vmem>>
    %dma_wait3A_664 = arith.constant 0 : i32
    %dma_wait3A_665 = tpu.memref_slice %arg4[%add3A_641, %dma_wait3A_664] : memref<425984x64xf32, #tpu.memory_space<hbm>> -> memref<832x64xf32, #tpu.memory_space<hbm>>
    %dma_wait3A_666 = tpu.memref_slice %arg8[%dma_wait3A_659] : memref<2x!tpu.dma_semaphore, #tpu.memory_space<semaphore_mem>> -> memref<1x!tpu.dma_semaphore, #tpu.memory_space<semaphore_mem>>
    %dma_wait3A_667 = tpu.memref_squeeze %dma_wait3A_666 : memref<1x!tpu.dma_semaphore, #tpu.memory_space<semaphore_mem>> -> memref<!tpu.dma_semaphore, #tpu.memory_space<semaphore_mem>>
    %dma_wait3A_668 = arith.constant 0 : i32
    %dma_wait3A_669 = tpu.memref_slice %arg4[%add3A_641, %dma_wait3A_668] : memref<425984x64xf32, #tpu.memory_space<hbm>> -> memref<832x64xf32, #tpu.memory_space<hbm>>
    %dma_wait3A_670 = arith.constant 0 : i32
    %dma_wait3A_671 = arith.constant 0 : i32
    %dma_wait3A_672 = tpu.memref_slice %arg6[%dma_wait3A_658, %dma_wait3A_670, %dma_wait3A_671] : memref<2x832x64xf32, #tpu.memory_space<vmem>> -> memref<1x832x64xf32, #tpu.memory_space<vmem>>
    %dma_wait3A_673 = tpu.memref_squeeze %dma_wait3A_672 : memref<1x832x64xf32, #tpu.memory_space<vmem>> -> memref<832x64xf32, #tpu.memory_space<vmem>>
    tpu.wait_dma2 semaphore(%dma_wait3A_667 : memref<!tpu.dma_semaphore, #tpu.memory_space<semaphore_mem>>) src(%dma_wait3A_673 : memref<832x64xf32, #tpu.memory_space<vmem>>) dst(%dma_wait3A_669 : memref<832x64xf32, #tpu.memory_space<hbm>>)
    %dma_start3A_674 = arith.constant 0 : i32
    %dma_start3A_675 = arith.constant 0 : i32
    %dma_start3A_676 = arith.constant 0 : i32
    %dma_start3A_677 = arith.constant 0 : i32
    %dma_start3A_678 = tpu.memref_slice %arg6[%dma_start3A_674, %dma_start3A_676, %dma_start3A_677] : memref<2x832x64xf32, #tpu.memory_space<vmem>> -> memref<1x832x64xf32, #tpu.memory_space<vmem>>
    %dma_start3A_679 = tpu.memref_squeeze %dma_start3A_678 : memref<1x832x64xf32, #tpu.memory_space<vmem>> -> memref<832x64xf32, #tpu.memory_space<vmem>>
    %dma_start3A_680 = arith.constant 9984 : i32
    %dma_start3A_681 = tpu.memref_slice %arg5[%dma_start3A_680] : memref<13312xi32, #tpu.memory_space<vmem>> -> memref<832xi32, #tpu.memory_space<vmem>>
    %dma_start3A_682 = arith.constant 0 : i32
    %dma_start3A_683 = arith.constant 0 : i32
    %dma_start3A_684 = tpu.memref_slice %arg3[%dma_start3A_682, %dma_start3A_683] : memref<1000000x64xf32, #tpu.memory_space<hbm>> -> memref<1000000x64xf32, #tpu.memory_space<hbm>>
    %dma_start3A_685 = tpu.memref_slice %arg7[%dma_start3A_675] : memref<2x!tpu.dma_semaphore, #tpu.memory_space<semaphore_mem>> -> memref<1x!tpu.dma_semaphore, #tpu.memory_space<semaphore_mem>>
    %dma_start3A_686 = tpu.memref_squeeze %dma_start3A_685 : memref<1x!tpu.dma_semaphore, #tpu.memory_space<semaphore_mem>> -> memref<!tpu.dma_semaphore, #tpu.memory_space<semaphore_mem>>
    tpu.enqueue_indirect_dma source(%dma_start3A_684 : memref<1000000x64xf32, #tpu.memory_space<hbm>>) target(%dma_start3A_679 : memref<832x64xf32, #tpu.memory_space<vmem>>) offsets(%dma_start3A_681 : memref<832xi32, #tpu.memory_space<vmem>>) semaphore(%dma_start3A_686 : memref<!tpu.dma_semaphore, #tpu.memory_space<semaphore_mem>>)
    %dma_wait3A_687 = arith.constant 1 : i32
    %dma_wait3A_688 = arith.constant 1 : i32
    %dma_wait3A_689 = arith.constant 0 : i32
    %dma_wait3A_690 = arith.constant 0 : i32
    %dma_wait3A_691 = tpu.memref_slice %arg6[%dma_wait3A_687, %dma_wait3A_689, %dma_wait3A_690] : memref<2x832x64xf32, #tpu.memory_space<vmem>> -> memref<1x832x64xf32, #tpu.memory_space<vmem>>
    %dma_wait3A_692 = tpu.memref_squeeze %dma_wait3A_691 : memref<1x832x64xf32, #tpu.memory_space<vmem>> -> memref<832x64xf32, #tpu.memory_space<vmem>>
    %dma_wait3A_693 = arith.constant 9152 : i32
    %dma_wait3A_694 = tpu.memref_slice %arg5[%dma_wait3A_693] : memref<13312xi32, #tpu.memory_space<vmem>> -> memref<832xi32, #tpu.memory_space<vmem>>
    %dma_wait3A_695 = arith.constant 0 : i32
    %dma_wait3A_696 = arith.constant 0 : i32
    %dma_wait3A_697 = tpu.memref_slice %arg3[%dma_wait3A_695, %dma_wait3A_696] : memref<1000000x64xf32, #tpu.memory_space<hbm>> -> memref<1000000x64xf32, #tpu.memory_space<hbm>>
    %dma_wait3A_698 = tpu.memref_slice %arg7[%dma_wait3A_688] : memref<2x!tpu.dma_semaphore, #tpu.memory_space<semaphore_mem>> -> memref<1x!tpu.dma_semaphore, #tpu.memory_space<semaphore_mem>>
    %dma_wait3A_699 = tpu.memref_squeeze %dma_wait3A_698 : memref<1x!tpu.dma_semaphore, #tpu.memory_space<semaphore_mem>> -> memref<!tpu.dma_semaphore, #tpu.memory_space<semaphore_mem>>
    tpu.wait_indirect_dma semaphore(%dma_wait3A_699 : memref<!tpu.dma_semaphore, #tpu.memory_space<semaphore_mem>>) src(%dma_wait3A_697 : memref<1000000x64xf32, #tpu.memory_space<hbm>>) dst(%dma_wait3A_692 : memref<832x64xf32, #tpu.memory_space<vmem>>)
    %add3A_700 = arith.constant 9152 : i32
    %add3A_701 = arith.addi %mul3A_2, %add3A_700 : i32
    %dma_start3A_702 = arith.constant 1 : i32
    %dma_start3A_703 = arith.constant 1 : i32
    %dma_start3A_704 = arith.constant 0 : i32
    %dma_start3A_705 = arith.constant 0 : i32
    %dma_start3A_706 = tpu.memref_slice %arg6[%dma_start3A_702, %dma_start3A_704, %dma_start3A_705] : memref<2x832x64xf32, #tpu.memory_space<vmem>> -> memref<1x832x64xf32, #tpu.memory_space<vmem>>
    %dma_start3A_707 = tpu.memref_squeeze %dma_start3A_706 : memref<1x832x64xf32, #tpu.memory_space<vmem>> -> memref<832x64xf32, #tpu.memory_space<vmem>>
    %dma_start3A_708 = arith.constant 0 : i32
    %dma_start3A_709 = tpu.memref_slice %arg4[%add3A_701, %dma_start3A_708] : memref<425984x64xf32, #tpu.memory_space<hbm>> -> memref<832x64xf32, #tpu.memory_space<hbm>>
    %dma_start3A_710 = tpu.memref_slice %arg8[%dma_start3A_703] : memref<2x!tpu.dma_semaphore, #tpu.memory_space<semaphore_mem>> -> memref<1x!tpu.dma_semaphore, #tpu.memory_space<semaphore_mem>>
    %dma_start3A_711 = tpu.memref_squeeze %dma_start3A_710 : memref<1x!tpu.dma_semaphore, #tpu.memory_space<semaphore_mem>> -> memref<!tpu.dma_semaphore, #tpu.memory_space<semaphore_mem>>
    %dma_start3A_712 = arith.constant 0 : i32
    %dma_start3A_713 = tpu.memref_slice %arg4[%add3A_701, %dma_start3A_712] : memref<425984x64xf32, #tpu.memory_space<hbm>> -> memref<832x64xf32, #tpu.memory_space<hbm>>
    %dma_start3A_714 = arith.constant 0 : i32
    %dma_start3A_715 = arith.constant 0 : i32
    %dma_start3A_716 = tpu.memref_slice %arg6[%dma_start3A_702, %dma_start3A_714, %dma_start3A_715] : memref<2x832x64xf32, #tpu.memory_space<vmem>> -> memref<1x832x64xf32, #tpu.memory_space<vmem>>
    %dma_start3A_717 = tpu.memref_squeeze %dma_start3A_716 : memref<1x832x64xf32, #tpu.memory_space<vmem>> -> memref<832x64xf32, #tpu.memory_space<vmem>>
    tpu.enqueue_dma source(%dma_start3A_717 : memref<832x64xf32, #tpu.memory_space<vmem>>) target(%dma_start3A_713 : memref<832x64xf32, #tpu.memory_space<hbm>>) target_semaphore(%dma_start3A_711 : memref<!tpu.dma_semaphore, #tpu.memory_space<semaphore_mem>>)
    %dma_wait3A_718 = arith.constant 1 : i32
    %dma_wait3A_719 = arith.constant 1 : i32
    %dma_wait3A_720 = arith.constant 0 : i32
    %dma_wait3A_721 = arith.constant 0 : i32
    %dma_wait3A_722 = tpu.memref_slice %arg6[%dma_wait3A_718, %dma_wait3A_720, %dma_wait3A_721] : memref<2x832x64xf32, #tpu.memory_space<vmem>> -> memref<1x832x64xf32, #tpu.memory_space<vmem>>
    %dma_wait3A_723 = tpu.memref_squeeze %dma_wait3A_722 : memref<1x832x64xf32, #tpu.memory_space<vmem>> -> memref<832x64xf32, #tpu.memory_space<vmem>>
    %dma_wait3A_724 = arith.constant 0 : i32
    %dma_wait3A_725 = tpu.memref_slice %arg4[%add3A_701, %dma_wait3A_724] : memref<425984x64xf32, #tpu.memory_space<hbm>> -> memref<832x64xf32, #tpu.memory_space<hbm>>
    %dma_wait3A_726 = tpu.memref_slice %arg8[%dma_wait3A_719] : memref<2x!tpu.dma_semaphore, #tpu.memory_space<semaphore_mem>> -> memref<1x!tpu.dma_semaphore, #tpu.memory_space<semaphore_mem>>
    %dma_wait3A_727 = tpu.memref_squeeze %dma_wait3A_726 : memref<1x!tpu.dma_semaphore, #tpu.memory_space<semaphore_mem>> -> memref<!tpu.dma_semaphore, #tpu.memory_space<semaphore_mem>>
    %dma_wait3A_728 = arith.constant 0 : i32
    %dma_wait3A_729 = tpu.memref_slice %arg4[%add3A_701, %dma_wait3A_728] : memref<425984x64xf32, #tpu.memory_space<hbm>> -> memref<832x64xf32, #tpu.memory_space<hbm>>
    %dma_wait3A_730 = arith.constant 0 : i32
    %dma_wait3A_731 = arith.constant 0 : i32
    %dma_wait3A_732 = tpu.memref_slice %arg6[%dma_wait3A_718, %dma_wait3A_730, %dma_wait3A_731] : memref<2x832x64xf32, #tpu.memory_space<vmem>> -> memref<1x832x64xf32, #tpu.memory_space<vmem>>
    %dma_wait3A_733 = tpu.memref_squeeze %dma_wait3A_732 : memref<1x832x64xf32, #tpu.memory_space<vmem>> -> memref<832x64xf32, #tpu.memory_space<vmem>>
    tpu.wait_dma2 semaphore(%dma_wait3A_727 : memref<!tpu.dma_semaphore, #tpu.memory_space<semaphore_mem>>) src(%dma_wait3A_733 : memref<832x64xf32, #tpu.memory_space<vmem>>) dst(%dma_wait3A_729 : memref<832x64xf32, #tpu.memory_space<hbm>>)
    %dma_start3A_734 = arith.constant 1 : i32
    %dma_start3A_735 = arith.constant 1 : i32
    %dma_start3A_736 = arith.constant 0 : i32
    %dma_start3A_737 = arith.constant 0 : i32
    %dma_start3A_738 = tpu.memref_slice %arg6[%dma_start3A_734, %dma_start3A_736, %dma_start3A_737] : memref<2x832x64xf32, #tpu.memory_space<vmem>> -> memref<1x832x64xf32, #tpu.memory_space<vmem>>
    %dma_start3A_739 = tpu.memref_squeeze %dma_start3A_738 : memref<1x832x64xf32, #tpu.memory_space<vmem>> -> memref<832x64xf32, #tpu.memory_space<vmem>>
    %dma_start3A_740 = arith.constant 10816 : i32
    %dma_start3A_741 = tpu.memref_slice %arg5[%dma_start3A_740] : memref<13312xi32, #tpu.memory_space<vmem>> -> memref<832xi32, #tpu.memory_space<vmem>>
    %dma_start3A_742 = arith.constant 0 : i32
    %dma_start3A_743 = arith.constant 0 : i32
    %dma_start3A_744 = tpu.memref_slice %arg3[%dma_start3A_742, %dma_start3A_743] : memref<1000000x64xf32, #tpu.memory_space<hbm>> -> memref<1000000x64xf32, #tpu.memory_space<hbm>>
    %dma_start3A_745 = tpu.memref_slice %arg7[%dma_start3A_735] : memref<2x!tpu.dma_semaphore, #tpu.memory_space<semaphore_mem>> -> memref<1x!tpu.dma_semaphore, #tpu.memory_space<semaphore_mem>>
    %dma_start3A_746 = tpu.memref_squeeze %dma_start3A_745 : memref<1x!tpu.dma_semaphore, #tpu.memory_space<semaphore_mem>> -> memref<!tpu.dma_semaphore, #tpu.memory_space<semaphore_mem>>
    tpu.enqueue_indirect_dma source(%dma_start3A_744 : memref<1000000x64xf32, #tpu.memory_space<hbm>>) target(%dma_start3A_739 : memref<832x64xf32, #tpu.memory_space<vmem>>) offsets(%dma_start3A_741 : memref<832xi32, #tpu.memory_space<vmem>>) semaphore(%dma_start3A_746 : memref<!tpu.dma_semaphore, #tpu.memory_space<semaphore_mem>>)
    %dma_wait3A_747 = arith.constant 0 : i32
    %dma_wait3A_748 = arith.constant 0 : i32
    %dma_wait3A_749 = arith.constant 0 : i32
    %dma_wait3A_750 = arith.constant 0 : i32
    %dma_wait3A_751 = tpu.memref_slice %arg6[%dma_wait3A_747, %dma_wait3A_749, %dma_wait3A_750] : memref<2x832x64xf32, #tpu.memory_space<vmem>> -> memref<1x832x64xf32, #tpu.memory_space<vmem>>
    %dma_wait3A_752 = tpu.memref_squeeze %dma_wait3A_751 : memref<1x832x64xf32, #tpu.memory_space<vmem>> -> memref<832x64xf32, #tpu.memory_space<vmem>>
    %dma_wait3A_753 = arith.constant 9984 : i32
    %dma_wait3A_754 = tpu.memref_slice %arg5[%dma_wait3A_753] : memref<13312xi32, #tpu.memory_space<vmem>> -> memref<832xi32, #tpu.memory_space<vmem>>
    %dma_wait3A_755 = arith.constant 0 : i32
    %dma_wait3A_756 = arith.constant 0 : i32
    %dma_wait3A_757 = tpu.memref_slice %arg3[%dma_wait3A_755, %dma_wait3A_756] : memref<1000000x64xf32, #tpu.memory_space<hbm>> -> memref<1000000x64xf32, #tpu.memory_space<hbm>>
    %dma_wait3A_758 = tpu.memref_slice %arg7[%dma_wait3A_748] : memref<2x!tpu.dma_semaphore, #tpu.memory_space<semaphore_mem>> -> memref<1x!tpu.dma_semaphore, #tpu.memory_space<semaphore_mem>>
    %dma_wait3A_759 = tpu.memref_squeeze %dma_wait3A_758 : memref<1x!tpu.dma_semaphore, #tpu.memory_space<semaphore_mem>> -> memref<!tpu.dma_semaphore, #tpu.memory_space<semaphore_mem>>
    tpu.wait_indirect_dma semaphore(%dma_wait3A_759 : memref<!tpu.dma_semaphore, #tpu.memory_space<semaphore_mem>>) src(%dma_wait3A_757 : memref<1000000x64xf32, #tpu.memory_space<hbm>>) dst(%dma_wait3A_752 : memref<832x64xf32, #tpu.memory_space<vmem>>)
    %add3A_760 = arith.constant 9984 : i32
    %add3A_761 = arith.addi %mul3A_2, %add3A_760 : i32
    %dma_start3A_762 = arith.constant 0 : i32
    %dma_start3A_763 = arith.constant 0 : i32
    %dma_start3A_764 = arith.constant 0 : i32
    %dma_start3A_765 = arith.constant 0 : i32
    %dma_start3A_766 = tpu.memref_slice %arg6[%dma_start3A_762, %dma_start3A_764, %dma_start3A_765] : memref<2x832x64xf32, #tpu.memory_space<vmem>> -> memref<1x832x64xf32, #tpu.memory_space<vmem>>
    %dma_start3A_767 = tpu.memref_squeeze %dma_start3A_766 : memref<1x832x64xf32, #tpu.memory_space<vmem>> -> memref<832x64xf32, #tpu.memory_space<vmem>>
    %dma_start3A_768 = arith.constant 0 : i32
    %dma_start3A_769 = tpu.memref_slice %arg4[%add3A_761, %dma_start3A_768] : memref<425984x64xf32, #tpu.memory_space<hbm>> -> memref<832x64xf32, #tpu.memory_space<hbm>>
    %dma_start3A_770 = tpu.memref_slice %arg8[%dma_start3A_763] : memref<2x!tpu.dma_semaphore, #tpu.memory_space<semaphore_mem>> -> memref<1x!tpu.dma_semaphore, #tpu.memory_space<semaphore_mem>>
    %dma_start3A_771 = tpu.memref_squeeze %dma_start3A_770 : memref<1x!tpu.dma_semaphore, #tpu.memory_space<semaphore_mem>> -> memref<!tpu.dma_semaphore, #tpu.memory_space<semaphore_mem>>
    %dma_start3A_772 = arith.constant 0 : i32
    %dma_start3A_773 = tpu.memref_slice %arg4[%add3A_761, %dma_start3A_772] : memref<425984x64xf32, #tpu.memory_space<hbm>> -> memref<832x64xf32, #tpu.memory_space<hbm>>
    %dma_start3A_774 = arith.constant 0 : i32
    %dma_start3A_775 = arith.constant 0 : i32
    %dma_start3A_776 = tpu.memref_slice %arg6[%dma_start3A_762, %dma_start3A_774, %dma_start3A_775] : memref<2x832x64xf32, #tpu.memory_space<vmem>> -> memref<1x832x64xf32, #tpu.memory_space<vmem>>
    %dma_start3A_777 = tpu.memref_squeeze %dma_start3A_776 : memref<1x832x64xf32, #tpu.memory_space<vmem>> -> memref<832x64xf32, #tpu.memory_space<vmem>>
    tpu.enqueue_dma source(%dma_start3A_777 : memref<832x64xf32, #tpu.memory_space<vmem>>) target(%dma_start3A_773 : memref<832x64xf32, #tpu.memory_space<hbm>>) target_semaphore(%dma_start3A_771 : memref<!tpu.dma_semaphore, #tpu.memory_space<semaphore_mem>>)
    %dma_wait3A_778 = arith.constant 0 : i32
    %dma_wait3A_779 = arith.constant 0 : i32
    %dma_wait3A_780 = arith.constant 0 : i32
    %dma_wait3A_781 = arith.constant 0 : i32
    %dma_wait3A_782 = tpu.memref_slice %arg6[%dma_wait3A_778, %dma_wait3A_780, %dma_wait3A_781] : memref<2x832x64xf32, #tpu.memory_space<vmem>> -> memref<1x832x64xf32, #tpu.memory_space<vmem>>
    %dma_wait3A_783 = tpu.memref_squeeze %dma_wait3A_782 : memref<1x832x64xf32, #tpu.memory_space<vmem>> -> memref<832x64xf32, #tpu.memory_space<vmem>>
    %dma_wait3A_784 = arith.constant 0 : i32
    %dma_wait3A_785 = tpu.memref_slice %arg4[%add3A_761, %dma_wait3A_784] : memref<425984x64xf32, #tpu.memory_space<hbm>> -> memref<832x64xf32, #tpu.memory_space<hbm>>
    %dma_wait3A_786 = tpu.memref_slice %arg8[%dma_wait3A_779] : memref<2x!tpu.dma_semaphore, #tpu.memory_space<semaphore_mem>> -> memref<1x!tpu.dma_semaphore, #tpu.memory_space<semaphore_mem>>
    %dma_wait3A_787 = tpu.memref_squeeze %dma_wait3A_786 : memref<1x!tpu.dma_semaphore, #tpu.memory_space<semaphore_mem>> -> memref<!tpu.dma_semaphore, #tpu.memory_space<semaphore_mem>>
    %dma_wait3A_788 = arith.constant 0 : i32
    %dma_wait3A_789 = tpu.memref_slice %arg4[%add3A_761, %dma_wait3A_788] : memref<425984x64xf32, #tpu.memory_space<hbm>> -> memref<832x64xf32, #tpu.memory_space<hbm>>
    %dma_wait3A_790 = arith.constant 0 : i32
    %dma_wait3A_791 = arith.constant 0 : i32
    %dma_wait3A_792 = tpu.memref_slice %arg6[%dma_wait3A_778, %dma_wait3A_790, %dma_wait3A_791] : memref<2x832x64xf32, #tpu.memory_space<vmem>> -> memref<1x832x64xf32, #tpu.memory_space<vmem>>
    %dma_wait3A_793 = tpu.memref_squeeze %dma_wait3A_792 : memref<1x832x64xf32, #tpu.memory_space<vmem>> -> memref<832x64xf32, #tpu.memory_space<vmem>>
    tpu.wait_dma2 semaphore(%dma_wait3A_787 : memref<!tpu.dma_semaphore, #tpu.memory_space<semaphore_mem>>) src(%dma_wait3A_793 : memref<832x64xf32, #tpu.memory_space<vmem>>) dst(%dma_wait3A_789 : memref<832x64xf32, #tpu.memory_space<hbm>>)
    %dma_start3A_794 = arith.constant 0 : i32
    %dma_start3A_795 = arith.constant 0 : i32
    %dma_start3A_796 = arith.constant 0 : i32
    %dma_start3A_797 = arith.constant 0 : i32
    %dma_start3A_798 = tpu.memref_slice %arg6[%dma_start3A_794, %dma_start3A_796, %dma_start3A_797] : memref<2x832x64xf32, #tpu.memory_space<vmem>> -> memref<1x832x64xf32, #tpu.memory_space<vmem>>
    %dma_start3A_799 = tpu.memref_squeeze %dma_start3A_798 : memref<1x832x64xf32, #tpu.memory_space<vmem>> -> memref<832x64xf32, #tpu.memory_space<vmem>>
    %dma_start3A_800 = arith.constant 11648 : i32
    %dma_start3A_801 = tpu.memref_slice %arg5[%dma_start3A_800] : memref<13312xi32, #tpu.memory_space<vmem>> -> memref<832xi32, #tpu.memory_space<vmem>>
    %dma_start3A_802 = arith.constant 0 : i32
    %dma_start3A_803 = arith.constant 0 : i32
    %dma_start3A_804 = tpu.memref_slice %arg3[%dma_start3A_802, %dma_start3A_803] : memref<1000000x64xf32, #tpu.memory_space<hbm>> -> memref<1000000x64xf32, #tpu.memory_space<hbm>>
    %dma_start3A_805 = tpu.memref_slice %arg7[%dma_start3A_795] : memref<2x!tpu.dma_semaphore, #tpu.memory_space<semaphore_mem>> -> memref<1x!tpu.dma_semaphore, #tpu.memory_space<semaphore_mem>>
    %dma_start3A_806 = tpu.memref_squeeze %dma_start3A_805 : memref<1x!tpu.dma_semaphore, #tpu.memory_space<semaphore_mem>> -> memref<!tpu.dma_semaphore, #tpu.memory_space<semaphore_mem>>
    tpu.enqueue_indirect_dma source(%dma_start3A_804 : memref<1000000x64xf32, #tpu.memory_space<hbm>>) target(%dma_start3A_799 : memref<832x64xf32, #tpu.memory_space<vmem>>) offsets(%dma_start3A_801 : memref<832xi32, #tpu.memory_space<vmem>>) semaphore(%dma_start3A_806 : memref<!tpu.dma_semaphore, #tpu.memory_space<semaphore_mem>>)
    %dma_wait3A_807 = arith.constant 1 : i32
    %dma_wait3A_808 = arith.constant 1 : i32
    %dma_wait3A_809 = arith.constant 0 : i32
    %dma_wait3A_810 = arith.constant 0 : i32
    %dma_wait3A_811 = tpu.memref_slice %arg6[%dma_wait3A_807, %dma_wait3A_809, %dma_wait3A_810] : memref<2x832x64xf32, #tpu.memory_space<vmem>> -> memref<1x832x64xf32, #tpu.memory_space<vmem>>
    %dma_wait3A_812 = tpu.memref_squeeze %dma_wait3A_811 : memref<1x832x64xf32, #tpu.memory_space<vmem>> -> memref<832x64xf32, #tpu.memory_space<vmem>>
    %dma_wait3A_813 = arith.constant 10816 : i32
    %dma_wait3A_814 = tpu.memref_slice %arg5[%dma_wait3A_813] : memref<13312xi32, #tpu.memory_space<vmem>> -> memref<832xi32, #tpu.memory_space<vmem>>
    %dma_wait3A_815 = arith.constant 0 : i32
    %dma_wait3A_816 = arith.constant 0 : i32
    %dma_wait3A_817 = tpu.memref_slice %arg3[%dma_wait3A_815, %dma_wait3A_816] : memref<1000000x64xf32, #tpu.memory_space<hbm>> -> memref<1000000x64xf32, #tpu.memory_space<hbm>>
    %dma_wait3A_818 = tpu.memref_slice %arg7[%dma_wait3A_808] : memref<2x!tpu.dma_semaphore, #tpu.memory_space<semaphore_mem>> -> memref<1x!tpu.dma_semaphore, #tpu.memory_space<semaphore_mem>>
    %dma_wait3A_819 = tpu.memref_squeeze %dma_wait3A_818 : memref<1x!tpu.dma_semaphore, #tpu.memory_space<semaphore_mem>> -> memref<!tpu.dma_semaphore, #tpu.memory_space<semaphore_mem>>
    tpu.wait_indirect_dma semaphore(%dma_wait3A_819 : memref<!tpu.dma_semaphore, #tpu.memory_space<semaphore_mem>>) src(%dma_wait3A_817 : memref<1000000x64xf32, #tpu.memory_space<hbm>>) dst(%dma_wait3A_812 : memref<832x64xf32, #tpu.memory_space<vmem>>)
    %add3A_820 = arith.constant 10816 : i32
    %add3A_821 = arith.addi %mul3A_2, %add3A_820 : i32
    %dma_start3A_822 = arith.constant 1 : i32
    %dma_start3A_823 = arith.constant 1 : i32
    %dma_start3A_824 = arith.constant 0 : i32
    %dma_start3A_825 = arith.constant 0 : i32
    %dma_start3A_826 = tpu.memref_slice %arg6[%dma_start3A_822, %dma_start3A_824, %dma_start3A_825] : memref<2x832x64xf32, #tpu.memory_space<vmem>> -> memref<1x832x64xf32, #tpu.memory_space<vmem>>
    %dma_start3A_827 = tpu.memref_squeeze %dma_start3A_826 : memref<1x832x64xf32, #tpu.memory_space<vmem>> -> memref<832x64xf32, #tpu.memory_space<vmem>>
    %dma_start3A_828 = arith.constant 0 : i32
    %dma_start3A_829 = tpu.memref_slice %arg4[%add3A_821, %dma_start3A_828] : memref<425984x64xf32, #tpu.memory_space<hbm>> -> memref<832x64xf32, #tpu.memory_space<hbm>>
    %dma_start3A_830 = tpu.memref_slice %arg8[%dma_start3A_823] : memref<2x!tpu.dma_semaphore, #tpu.memory_space<semaphore_mem>> -> memref<1x!tpu.dma_semaphore, #tpu.memory_space<semaphore_mem>>
    %dma_start3A_831 = tpu.memref_squeeze %dma_start3A_830 : memref<1x!tpu.dma_semaphore, #tpu.memory_space<semaphore_mem>> -> memref<!tpu.dma_semaphore, #tpu.memory_space<semaphore_mem>>
    %dma_start3A_832 = arith.constant 0 : i32
    %dma_start3A_833 = tpu.memref_slice %arg4[%add3A_821, %dma_start3A_832] : memref<425984x64xf32, #tpu.memory_space<hbm>> -> memref<832x64xf32, #tpu.memory_space<hbm>>
    %dma_start3A_834 = arith.constant 0 : i32
    %dma_start3A_835 = arith.constant 0 : i32
    %dma_start3A_836 = tpu.memref_slice %arg6[%dma_start3A_822, %dma_start3A_834, %dma_start3A_835] : memref<2x832x64xf32, #tpu.memory_space<vmem>> -> memref<1x832x64xf32, #tpu.memory_space<vmem>>
    %dma_start3A_837 = tpu.memref_squeeze %dma_start3A_836 : memref<1x832x64xf32, #tpu.memory_space<vmem>> -> memref<832x64xf32, #tpu.memory_space<vmem>>
    tpu.enqueue_dma source(%dma_start3A_837 : memref<832x64xf32, #tpu.memory_space<vmem>>) target(%dma_start3A_833 : memref<832x64xf32, #tpu.memory_space<hbm>>) target_semaphore(%dma_start3A_831 : memref<!tpu.dma_semaphore, #tpu.memory_space<semaphore_mem>>)
    %dma_wait3A_838 = arith.constant 1 : i32
    %dma_wait3A_839 = arith.constant 1 : i32
    %dma_wait3A_840 = arith.constant 0 : i32
    %dma_wait3A_841 = arith.constant 0 : i32
    %dma_wait3A_842 = tpu.memref_slice %arg6[%dma_wait3A_838, %dma_wait3A_840, %dma_wait3A_841] : memref<2x832x64xf32, #tpu.memory_space<vmem>> -> memref<1x832x64xf32, #tpu.memory_space<vmem>>
    %dma_wait3A_843 = tpu.memref_squeeze %dma_wait3A_842 : memref<1x832x64xf32, #tpu.memory_space<vmem>> -> memref<832x64xf32, #tpu.memory_space<vmem>>
    %dma_wait3A_844 = arith.constant 0 : i32
    %dma_wait3A_845 = tpu.memref_slice %arg4[%add3A_821, %dma_wait3A_844] : memref<425984x64xf32, #tpu.memory_space<hbm>> -> memref<832x64xf32, #tpu.memory_space<hbm>>
    %dma_wait3A_846 = tpu.memref_slice %arg8[%dma_wait3A_839] : memref<2x!tpu.dma_semaphore, #tpu.memory_space<semaphore_mem>> -> memref<1x!tpu.dma_semaphore, #tpu.memory_space<semaphore_mem>>
    %dma_wait3A_847 = tpu.memref_squeeze %dma_wait3A_846 : memref<1x!tpu.dma_semaphore, #tpu.memory_space<semaphore_mem>> -> memref<!tpu.dma_semaphore, #tpu.memory_space<semaphore_mem>>
    %dma_wait3A_848 = arith.constant 0 : i32
    %dma_wait3A_849 = tpu.memref_slice %arg4[%add3A_821, %dma_wait3A_848] : memref<425984x64xf32, #tpu.memory_space<hbm>> -> memref<832x64xf32, #tpu.memory_space<hbm>>
    %dma_wait3A_850 = arith.constant 0 : i32
    %dma_wait3A_851 = arith.constant 0 : i32
    %dma_wait3A_852 = tpu.memref_slice %arg6[%dma_wait3A_838, %dma_wait3A_850, %dma_wait3A_851] : memref<2x832x64xf32, #tpu.memory_space<vmem>> -> memref<1x832x64xf32, #tpu.memory_space<vmem>>
    %dma_wait3A_853 = tpu.memref_squeeze %dma_wait3A_852 : memref<1x832x64xf32, #tpu.memory_space<vmem>> -> memref<832x64xf32, #tpu.memory_space<vmem>>
    tpu.wait_dma2 semaphore(%dma_wait3A_847 : memref<!tpu.dma_semaphore, #tpu.memory_space<semaphore_mem>>) src(%dma_wait3A_853 : memref<832x64xf32, #tpu.memory_space<vmem>>) dst(%dma_wait3A_849 : memref<832x64xf32, #tpu.memory_space<hbm>>)
    %dma_start3A_854 = arith.constant 1 : i32
    %dma_start3A_855 = arith.constant 1 : i32
    %dma_start3A_856 = arith.constant 0 : i32
    %dma_start3A_857 = arith.constant 0 : i32
    %dma_start3A_858 = tpu.memref_slice %arg6[%dma_start3A_854, %dma_start3A_856, %dma_start3A_857] : memref<2x832x64xf32, #tpu.memory_space<vmem>> -> memref<1x832x64xf32, #tpu.memory_space<vmem>>
    %dma_start3A_859 = tpu.memref_squeeze %dma_start3A_858 : memref<1x832x64xf32, #tpu.memory_space<vmem>> -> memref<832x64xf32, #tpu.memory_space<vmem>>
    %dma_start3A_860 = arith.constant 12480 : i32
    %dma_start3A_861 = tpu.memref_slice %arg5[%dma_start3A_860] : memref<13312xi32, #tpu.memory_space<vmem>> -> memref<832xi32, #tpu.memory_space<vmem>>
    %dma_start3A_862 = arith.constant 0 : i32
    %dma_start3A_863 = arith.constant 0 : i32
    %dma_start3A_864 = tpu.memref_slice %arg3[%dma_start3A_862, %dma_start3A_863] : memref<1000000x64xf32, #tpu.memory_space<hbm>> -> memref<1000000x64xf32, #tpu.memory_space<hbm>>
    %dma_start3A_865 = tpu.memref_slice %arg7[%dma_start3A_855] : memref<2x!tpu.dma_semaphore, #tpu.memory_space<semaphore_mem>> -> memref<1x!tpu.dma_semaphore, #tpu.memory_space<semaphore_mem>>
    %dma_start3A_866 = tpu.memref_squeeze %dma_start3A_865 : memref<1x!tpu.dma_semaphore, #tpu.memory_space<semaphore_mem>> -> memref<!tpu.dma_semaphore, #tpu.memory_space<semaphore_mem>>
    tpu.enqueue_indirect_dma source(%dma_start3A_864 : memref<1000000x64xf32, #tpu.memory_space<hbm>>) target(%dma_start3A_859 : memref<832x64xf32, #tpu.memory_space<vmem>>) offsets(%dma_start3A_861 : memref<832xi32, #tpu.memory_space<vmem>>) semaphore(%dma_start3A_866 : memref<!tpu.dma_semaphore, #tpu.memory_space<semaphore_mem>>)
    %dma_wait3A_867 = arith.constant 0 : i32
    %dma_wait3A_868 = arith.constant 0 : i32
    %dma_wait3A_869 = arith.constant 0 : i32
    %dma_wait3A_870 = arith.constant 0 : i32
    %dma_wait3A_871 = tpu.memref_slice %arg6[%dma_wait3A_867, %dma_wait3A_869, %dma_wait3A_870] : memref<2x832x64xf32, #tpu.memory_space<vmem>> -> memref<1x832x64xf32, #tpu.memory_space<vmem>>
    %dma_wait3A_872 = tpu.memref_squeeze %dma_wait3A_871 : memref<1x832x64xf32, #tpu.memory_space<vmem>> -> memref<832x64xf32, #tpu.memory_space<vmem>>
    %dma_wait3A_873 = arith.constant 11648 : i32
    %dma_wait3A_874 = tpu.memref_slice %arg5[%dma_wait3A_873] : memref<13312xi32, #tpu.memory_space<vmem>> -> memref<832xi32, #tpu.memory_space<vmem>>
    %dma_wait3A_875 = arith.constant 0 : i32
    %dma_wait3A_876 = arith.constant 0 : i32
    %dma_wait3A_877 = tpu.memref_slice %arg3[%dma_wait3A_875, %dma_wait3A_876] : memref<1000000x64xf32, #tpu.memory_space<hbm>> -> memref<1000000x64xf32, #tpu.memory_space<hbm>>
    %dma_wait3A_878 = tpu.memref_slice %arg7[%dma_wait3A_868] : memref<2x!tpu.dma_semaphore, #tpu.memory_space<semaphore_mem>> -> memref<1x!tpu.dma_semaphore, #tpu.memory_space<semaphore_mem>>
    %dma_wait3A_879 = tpu.memref_squeeze %dma_wait3A_878 : memref<1x!tpu.dma_semaphore, #tpu.memory_space<semaphore_mem>> -> memref<!tpu.dma_semaphore, #tpu.memory_space<semaphore_mem>>
    tpu.wait_indirect_dma semaphore(%dma_wait3A_879 : memref<!tpu.dma_semaphore, #tpu.memory_space<semaphore_mem>>) src(%dma_wait3A_877 : memref<1000000x64xf32, #tpu.memory_space<hbm>>) dst(%dma_wait3A_872 : memref<832x64xf32, #tpu.memory_space<vmem>>)
    %add3A_880 = arith.constant 11648 : i32
    %add3A_881 = arith.addi %mul3A_2, %add3A_880 : i32
    %dma_start3A_882 = arith.constant 0 : i32
    %dma_start3A_883 = arith.constant 0 : i32
    %dma_start3A_884 = arith.constant 0 : i32
    %dma_start3A_885 = arith.constant 0 : i32
    %dma_start3A_886 = tpu.memref_slice %arg6[%dma_start3A_882, %dma_start3A_884, %dma_start3A_885] : memref<2x832x64xf32, #tpu.memory_space<vmem>> -> memref<1x832x64xf32, #tpu.memory_space<vmem>>
    %dma_start3A_887 = tpu.memref_squeeze %dma_start3A_886 : memref<1x832x64xf32, #tpu.memory_space<vmem>> -> memref<832x64xf32, #tpu.memory_space<vmem>>
    %dma_start3A_888 = arith.constant 0 : i32
    %dma_start3A_889 = tpu.memref_slice %arg4[%add3A_881, %dma_start3A_888] : memref<425984x64xf32, #tpu.memory_space<hbm>> -> memref<832x64xf32, #tpu.memory_space<hbm>>
    %dma_start3A_890 = tpu.memref_slice %arg8[%dma_start3A_883] : memref<2x!tpu.dma_semaphore, #tpu.memory_space<semaphore_mem>> -> memref<1x!tpu.dma_semaphore, #tpu.memory_space<semaphore_mem>>
    %dma_start3A_891 = tpu.memref_squeeze %dma_start3A_890 : memref<1x!tpu.dma_semaphore, #tpu.memory_space<semaphore_mem>> -> memref<!tpu.dma_semaphore, #tpu.memory_space<semaphore_mem>>
    %dma_start3A_892 = arith.constant 0 : i32
    %dma_start3A_893 = tpu.memref_slice %arg4[%add3A_881, %dma_start3A_892] : memref<425984x64xf32, #tpu.memory_space<hbm>> -> memref<832x64xf32, #tpu.memory_space<hbm>>
    %dma_start3A_894 = arith.constant 0 : i32
    %dma_start3A_895 = arith.constant 0 : i32
    %dma_start3A_896 = tpu.memref_slice %arg6[%dma_start3A_882, %dma_start3A_894, %dma_start3A_895] : memref<2x832x64xf32, #tpu.memory_space<vmem>> -> memref<1x832x64xf32, #tpu.memory_space<vmem>>
    %dma_start3A_897 = tpu.memref_squeeze %dma_start3A_896 : memref<1x832x64xf32, #tpu.memory_space<vmem>> -> memref<832x64xf32, #tpu.memory_space<vmem>>
    tpu.enqueue_dma source(%dma_start3A_897 : memref<832x64xf32, #tpu.memory_space<vmem>>) target(%dma_start3A_893 : memref<832x64xf32, #tpu.memory_space<hbm>>) target_semaphore(%dma_start3A_891 : memref<!tpu.dma_semaphore, #tpu.memory_space<semaphore_mem>>)
    %dma_wait3A_898 = arith.constant 1 : i32
    %dma_wait3A_899 = arith.constant 1 : i32
    %dma_wait3A_900 = arith.constant 0 : i32
    %dma_wait3A_901 = arith.constant 0 : i32
    %dma_wait3A_902 = tpu.memref_slice %arg6[%dma_wait3A_898, %dma_wait3A_900, %dma_wait3A_901] : memref<2x832x64xf32, #tpu.memory_space<vmem>> -> memref<1x832x64xf32, #tpu.memory_space<vmem>>
    %dma_wait3A_903 = tpu.memref_squeeze %dma_wait3A_902 : memref<1x832x64xf32, #tpu.memory_space<vmem>> -> memref<832x64xf32, #tpu.memory_space<vmem>>
    %dma_wait3A_904 = arith.constant 12480 : i32
    %dma_wait3A_905 = tpu.memref_slice %arg5[%dma_wait3A_904] : memref<13312xi32, #tpu.memory_space<vmem>> -> memref<832xi32, #tpu.memory_space<vmem>>
    %dma_wait3A_906 = arith.constant 0 : i32
    %dma_wait3A_907 = arith.constant 0 : i32
    %dma_wait3A_908 = tpu.memref_slice %arg3[%dma_wait3A_906, %dma_wait3A_907] : memref<1000000x64xf32, #tpu.memory_space<hbm>> -> memref<1000000x64xf32, #tpu.memory_space<hbm>>
    %dma_wait3A_909 = tpu.memref_slice %arg7[%dma_wait3A_899] : memref<2x!tpu.dma_semaphore, #tpu.memory_space<semaphore_mem>> -> memref<1x!tpu.dma_semaphore, #tpu.memory_space<semaphore_mem>>
    %dma_wait3A_910 = tpu.memref_squeeze %dma_wait3A_909 : memref<1x!tpu.dma_semaphore, #tpu.memory_space<semaphore_mem>> -> memref<!tpu.dma_semaphore, #tpu.memory_space<semaphore_mem>>
    tpu.wait_indirect_dma semaphore(%dma_wait3A_910 : memref<!tpu.dma_semaphore, #tpu.memory_space<semaphore_mem>>) src(%dma_wait3A_908 : memref<1000000x64xf32, #tpu.memory_space<hbm>>) dst(%dma_wait3A_903 : memref<832x64xf32, #tpu.memory_space<vmem>>)
    %add3A_911 = arith.constant 12480 : i32
    %add3A_912 = arith.addi %mul3A_2, %add3A_911 : i32
    %dma_start3A_913 = arith.constant 1 : i32
    %dma_start3A_914 = arith.constant 1 : i32
    %dma_start3A_915 = arith.constant 0 : i32
    %dma_start3A_916 = arith.constant 0 : i32
    %dma_start3A_917 = tpu.memref_slice %arg6[%dma_start3A_913, %dma_start3A_915, %dma_start3A_916] : memref<2x832x64xf32, #tpu.memory_space<vmem>> -> memref<1x832x64xf32, #tpu.memory_space<vmem>>
    %dma_start3A_918 = tpu.memref_squeeze %dma_start3A_917 : memref<1x832x64xf32, #tpu.memory_space<vmem>> -> memref<832x64xf32, #tpu.memory_space<vmem>>
    %dma_start3A_919 = arith.constant 0 : i32
    %dma_start3A_920 = tpu.memref_slice %arg4[%add3A_912, %dma_start3A_919] : memref<425984x64xf32, #tpu.memory_space<hbm>> -> memref<832x64xf32, #tpu.memory_space<hbm>>
    %dma_start3A_921 = tpu.memref_slice %arg8[%dma_start3A_914] : memref<2x!tpu.dma_semaphore, #tpu.memory_space<semaphore_mem>> -> memref<1x!tpu.dma_semaphore, #tpu.memory_space<semaphore_mem>>
    %dma_start3A_922 = tpu.memref_squeeze %dma_start3A_921 : memref<1x!tpu.dma_semaphore, #tpu.memory_space<semaphore_mem>> -> memref<!tpu.dma_semaphore, #tpu.memory_space<semaphore_mem>>
    %dma_start3A_923 = arith.constant 0 : i32
    %dma_start3A_924 = tpu.memref_slice %arg4[%add3A_912, %dma_start3A_923] : memref<425984x64xf32, #tpu.memory_space<hbm>> -> memref<832x64xf32, #tpu.memory_space<hbm>>
    %dma_start3A_925 = arith.constant 0 : i32
    %dma_start3A_926 = arith.constant 0 : i32
    %dma_start3A_927 = tpu.memref_slice %arg6[%dma_start3A_913, %dma_start3A_925, %dma_start3A_926] : memref<2x832x64xf32, #tpu.memory_space<vmem>> -> memref<1x832x64xf32, #tpu.memory_space<vmem>>
    %dma_start3A_928 = tpu.memref_squeeze %dma_start3A_927 : memref<1x832x64xf32, #tpu.memory_space<vmem>> -> memref<832x64xf32, #tpu.memory_space<vmem>>
    tpu.enqueue_dma source(%dma_start3A_928 : memref<832x64xf32, #tpu.memory_space<vmem>>) target(%dma_start3A_924 : memref<832x64xf32, #tpu.memory_space<hbm>>) target_semaphore(%dma_start3A_922 : memref<!tpu.dma_semaphore, #tpu.memory_space<semaphore_mem>>)
    %dma_wait3A_929 = arith.constant 0 : i32
    %dma_wait3A_930 = arith.constant 0 : i32
    %dma_wait3A_931 = arith.constant 0 : i32
    %dma_wait3A_932 = arith.constant 0 : i32
    %dma_wait3A_933 = tpu.memref_slice %arg6[%dma_wait3A_929, %dma_wait3A_931, %dma_wait3A_932] : memref<2x832x64xf32, #tpu.memory_space<vmem>> -> memref<1x832x64xf32, #tpu.memory_space<vmem>>
    %dma_wait3A_934 = tpu.memref_squeeze %dma_wait3A_933 : memref<1x832x64xf32, #tpu.memory_space<vmem>> -> memref<832x64xf32, #tpu.memory_space<vmem>>
    %dma_wait3A_935 = arith.constant 0 : i32
    %dma_wait3A_936 = tpu.memref_slice %arg4[%add3A_881, %dma_wait3A_935] : memref<425984x64xf32, #tpu.memory_space<hbm>> -> memref<832x64xf32, #tpu.memory_space<hbm>>
    %dma_wait3A_937 = tpu.memref_slice %arg8[%dma_wait3A_930] : memref<2x!tpu.dma_semaphore, #tpu.memory_space<semaphore_mem>> -> memref<1x!tpu.dma_semaphore, #tpu.memory_space<semaphore_mem>>
    %dma_wait3A_938 = tpu.memref_squeeze %dma_wait3A_937 : memref<1x!tpu.dma_semaphore, #tpu.memory_space<semaphore_mem>> -> memref<!tpu.dma_semaphore, #tpu.memory_space<semaphore_mem>>
    %dma_wait3A_939 = arith.constant 0 : i32
    %dma_wait3A_940 = tpu.memref_slice %arg4[%add3A_881, %dma_wait3A_939] : memref<425984x64xf32, #tpu.memory_space<hbm>> -> memref<832x64xf32, #tpu.memory_space<hbm>>
    %dma_wait3A_941 = arith.constant 0 : i32
    %dma_wait3A_942 = arith.constant 0 : i32
    %dma_wait3A_943 = tpu.memref_slice %arg6[%dma_wait3A_929, %dma_wait3A_941, %dma_wait3A_942] : memref<2x832x64xf32, #tpu.memory_space<vmem>> -> memref<1x832x64xf32, #tpu.memory_space<vmem>>
    %dma_wait3A_944 = tpu.memref_squeeze %dma_wait3A_943 : memref<1x832x64xf32, #tpu.memory_space<vmem>> -> memref<832x64xf32, #tpu.memory_space<vmem>>
    tpu.wait_dma2 semaphore(%dma_wait3A_938 : memref<!tpu.dma_semaphore, #tpu.memory_space<semaphore_mem>>) src(%dma_wait3A_944 : memref<832x64xf32, #tpu.memory_space<vmem>>) dst(%dma_wait3A_940 : memref<832x64xf32, #tpu.memory_space<hbm>>)
    %dma_wait3A_945 = arith.constant 1 : i32
    %dma_wait3A_946 = arith.constant 1 : i32
    %dma_wait3A_947 = arith.constant 0 : i32
    %dma_wait3A_948 = arith.constant 0 : i32
    %dma_wait3A_949 = tpu.memref_slice %arg6[%dma_wait3A_945, %dma_wait3A_947, %dma_wait3A_948] : memref<2x832x64xf32, #tpu.memory_space<vmem>> -> memref<1x832x64xf32, #tpu.memory_space<vmem>>
    %dma_wait3A_950 = tpu.memref_squeeze %dma_wait3A_949 : memref<1x832x64xf32, #tpu.memory_space<vmem>> -> memref<832x64xf32, #tpu.memory_space<vmem>>
    %dma_wait3A_951 = arith.constant 0 : i32
    %dma_wait3A_952 = tpu.memref_slice %arg4[%add3A_912, %dma_wait3A_951] : memref<425984x64xf32, #tpu.memory_space<hbm>> -> memref<832x64xf32, #tpu.memory_space<hbm>>
    %dma_wait3A_953 = tpu.memref_slice %arg8[%dma_wait3A_946] : memref<2x!tpu.dma_semaphore, #tpu.memory_space<semaphore_mem>> -> memref<1x!tpu.dma_semaphore, #tpu.memory_space<semaphore_mem>>
    %dma_wait3A_954 = tpu.memref_squeeze %dma_wait3A_953 : memref<1x!tpu.dma_semaphore, #tpu.memory_space<semaphore_mem>> -> memref<!tpu.dma_semaphore, #tpu.memory_space<semaphore_mem>>
    %dma_wait3A_955 = arith.constant 0 : i32
    %dma_wait3A_956 = tpu.memref_slice %arg4[%add3A_912, %dma_wait3A_955] : memref<425984x64xf32, #tpu.memory_space<hbm>> -> memref<832x64xf32, #tpu.memory_space<hbm>>
    %dma_wait3A_957 = arith.constant 0 : i32
    %dma_wait3A_958 = arith.constant 0 : i32
    %dma_wait3A_959 = tpu.memref_slice %arg6[%dma_wait3A_945, %dma_wait3A_957, %dma_wait3A_958] : memref<2x832x64xf32, #tpu.memory_space<vmem>> -> memref<1x832x64xf32, #tpu.memory_space<vmem>>
    %dma_wait3A_960 = tpu.memref_squeeze %dma_wait3A_959 : memref<1x832x64xf32, #tpu.memory_space<vmem>> -> memref<832x64xf32, #tpu.memory_space<vmem>>
    tpu.wait_dma2 semaphore(%dma_wait3A_954 : memref<!tpu.dma_semaphore, #tpu.memory_space<semaphore_mem>>) src(%dma_wait3A_960 : memref<832x64xf32, #tpu.memory_space<vmem>>) dst(%dma_wait3A_956 : memref<832x64xf32, #tpu.memory_space<hbm>>)
    return
  }
}

</mosaic_0001>

<sc_bundles>
// kernel: _sc_gather.3.cloned.1.call-start
scs
__scs_entry_jumppad:
0x0: {  	(pc) =	sbr.rel $0x88, $3  }
0x1: {  	(tag) =	ssettag $0x0;
	lr =	simm.s32 $0x1  }
0x2: {  	[smem:$0x3F9F] =	sst lr;
	_ =	strace $0xD0000000  }
0x3: {  	_ = 	snop  }
0x4: {  	_ = 	snop  }
0x5: {  	_ = 	snop  }
0x6: {  	_ = 	snop  }
0x7: {  	_ = 	snop  }
__scs_overlays_trampoline_lowered:
0x8: {  	[smem:$0x3FAE] =	sst s0  }
0x9: {  	[smem:$0x3FAF] =	sst s1  }
0xa: {  	[smem:$0x3FB0] =	sst s2  }
0xb: {  	[smem:$0x3FB1] =	sst s3  }
0xc: {  	[smem:$0x3FB2] =	sst s4  }
0xd: {  	[smem:$0x3FB3] =	sst s5  }
0xe: {  	[smem:$0x3FB4] =	sst s6  }
0xf: {  	[smem:$0x3FB5] =	sst s7  }
0x10: {  	[smem:$0x3FB6] =	sst s8  }
0x11: {  	[smem:$0x3FB7] =	sst s9;
	s0 =	simm.s32 @!p0 $0x0  }
0x12: {  	s1 =	sld [smem:$0x3F9D];
	s0 =	simm.s32 @p0 $0x1  }
0x13: {  	[smem:$0x3FB8] =	sst s0;
	s0 =	simm.s32 @!p1 $0x0  }
0x14: {  	s2 =	sld [smem:$0x3F9C];
	s0 =	simm.s32 @p1 $0x1  }
0x15: {  	[smem:$0x3FB9] =	sst s0;
	s0 =	simm.s32 @!p2 $0x0  }
0x16: {  	s3 =	sld [smem:$0x3FDB];
	s0 =	simm.s32 @p2 $0x1  }
0x17: {  	s4 =	simm.s32 $0x1BF5;
	[smem:$0x3FBB] =	sst s0  }
0x18: {  	s0 =	sld [smem:$0x3F9E];
	_ =	swait.ge [sflag:s4], $0x0  }
0x19: {  	s7 =	sld [smem:$0x3F9F]  }
0x1a: {  	s8 =	sadd.s32 $0xFFFFE003, lr  }
0x1b: {  	s9 =	sadd.s32 $0xFFFFFEF7, lr;
	s5 =	simm.s32 $0xFFFFFFFF;
	p2 =	slt.u32 s8, $0xFFFFF086  }
0x1c: {  	p1 =	slt.u32 s9, $0xF7A;
	s5 =	simm.s32 @!p2 $0x0  }
0x1d: {  	s5 =	simm.s32 @p1 $0x1;
	p0 =	seq.s32 s7, s2  }
0x1e: {  	s7 =	smul.u32 @!p0 $0xF7A, s2;
	p2 =	seq.s32 @!p0 s5, $0x0  }
0x1f: {  	s9 =	smul.u32 $0xF7A, s1;
	s8 =	simm.s32 @!p0 $0x1BF5;
	p2 =	por !p2, p0  }
0x20: {  	[sflag:s8] =	ssyncset.s32 @!p0 $0xFFFFF086;
	s6 =	sadd.s32 @!p0 s3, s7;
	s7 =	simm.s32 @!p0 $0x108  }
0x21: {  	s3 =	sadd.s32 s3, s9;
	s6 =	sadd.s32 @!p0 $0x88, s6;
	s7 =	simm.s32 @p2 $0x1082  }
0x22: {  	[simem:s7], [sflag:s8] =	dma.local @!p0 [hbm:s6], $0xF7A  }
0x23: {  	s9 =	sor.u32 $0xD0000000, s2;
	s6 =	simm.s32 $0x108;
	_ =	swait.ge @!p0 [sflag:s8], $0x0  }
0x24: {  	s3 =	sadd.s32 $0x88, s3;
	s6 =	simm.s32 @!p1 $0x1082;
	[sflag:s4] =	ssyncset.s32 $0xFFFFF086  }
0x25: {  	[simem:s6], [sflag:s4] =	dma.local [hbm:s3], $0xF7A  }
0x26: {  	[smem:$0x3F9F] =	sst s1;
	(tag) =	ssettag s2;
	_ =	strace s9  }
0x27: {  	s1 =	sld [smem:$0x3FAF]  }
0x28: {  	s2 =	sld [smem:$0x3FB0]  }
0x29: {  	s4 =	sld [smem:$0x3FB2]  }
0x2a: {  	p0 =	seq.s32 s5, $0x0;
	s5 =	sld [smem:$0x3FB3]  }
0x2b: {  	s6 =	sld [smem:$0x3FB4]  }
0x2c: {  	s7 =	sld [smem:$0x3FB5]  }
0x2d: {  	s3 =	simm.s32 $0x108;
	s8 =	sld [smem:$0x3FB6]  }
0x2e: {  	s3 =	simm.s32 @!p0 $0x1082;
	s9 =	sld [smem:$0x3FB7]  }
0x2f: {  	lr =	sadd.s32 s0, s3;
	s0 =	sld [smem:$0x3FAE]  }
0x30: {  	s3 =	sld [smem:$0x3FB1]  }
0x31: {  	[smem:$0x3FBA] =	sst s10  }
0x32: {  	s10 =	sld [smem:$0x3FB8];
	_ =	sdelay $0x3  }
0x33: {  	p0 =	seq.s32 s10, $0x1;
	s10 =	sld [smem:$0x3FBA];
	_ =	sdelay $0x3  }
0x34: {  	[smem:$0x3FBA] =	sst s10  }
0x35: {  	s10 =	sld [smem:$0x3FB9];
	_ =	sdelay $0x3  }
0x36: {  	p1 =	seq.s32 s10, $0x1;
	s10 =	sld [smem:$0x3FBA];
	_ =	sdelay $0x3  }
0x37: {  	[smem:$0x3FBA] =	sst s10  }
0x38: {  	s10 =	sld [smem:$0x3FBB]  }
0x39: {  	_ = 	snop;
	(pc) =	sbr.ind lr, $3  }
0x3a: {  	_ = 	snop  }
0x3b: {  	_ = 	snop  }
0x3c: {  	p2 =	seq.s32 s10, $0x1;
	s10 =	sld [smem:$0x3FBA]  }
0x3d: {  	_ =	shalt  }
0x3e: {  	_ =	shalt  }
0x3f: {  	_ =	shalt  }
0x40: {  	_ =	shalt  }
0x41: {  	_ =	shalt  }
0x42: {  	_ =	shalt  }
0x43: {  	_ =	shalt  }
0x44: {  	_ =	shalt  }
0x45: {  	_ =	shalt  }
0x46: {  	_ =	shalt  }
0x47: {  	_ =	shalt  }
0x48: {  	_ =	shalt  }
0x49: {  	_ =	shalt  }
0x4a: {  	_ =	shalt  }
0x4b: {  	_ =	shalt  }
0x4c: {  	_ =	shalt  }
0x4d: {  	_ =	shalt  }
0x4e: {  	_ =	shalt  }
0x4f: {  	_ =	shalt  }
0x50: {  	_ =	shalt  }
0x51: {  	_ =	shalt  }
0x52: {  	_ =	shalt  }
0x53: {  	_ =	shalt  }
0x54: {  	_ =	shalt  }
0x55: {  	_ =	shalt  }
0x56: {  	_ =	shalt  }
0x57: {  	_ =	shalt  }
0x58: {  	_ =	shalt  }
0x59: {  	_ =	shalt  }
0x5a: {  	_ =	shalt  }
0x5b: {  	_ =	shalt  }
0x5c: {  	_ =	shalt  }
0x5d: {  	_ =	shalt  }
0x5e: {  	_ =	shalt  }
0x5f: {  	_ =	shalt  }
0x60: {  	_ =	shalt  }
0x61: {  	_ =	shalt  }
0x62: {  	_ =	shalt  }
0x63: {  	_ =	shalt  }
0x64: {  	_ =	shalt  }
0x65: {  	_ =	shalt  }
0x66: {  	_ =	shalt  }
0x67: {  	_ =	shalt  }
0x68: {  	_ =	shalt  }
0x69: {  	_ =	shalt  }
0x6a: {  	_ =	shalt  }
0x6b: {  	_ =	shalt  }
0x6c: {  	_ =	shalt  }
0x6d: {  	_ =	shalt  }
0x6e: {  	_ =	shalt  }
0x6f: {  	_ =	shalt  }
0x70: {  	_ =	shalt  }
0x71: {  	_ =	shalt  }
0x72: {  	_ =	shalt  }
0x73: {  	_ =	shalt  }
0x74: {  	_ =	shalt  }
0x75: {  	_ =	shalt  }
0x76: {  	_ =	shalt  }
0x77: {  	_ =	shalt  }
0x78: {  	_ =	shalt  }
0x79: {  	_ =	shalt  }
0x7a: {  	_ =	shalt  }
0x7b: {  	_ =	shalt  }
0x7c: {  	_ =	shalt  }
0x7d: {  	_ =	shalt  }
0x7e: {  	_ =	shalt  }
0x7f: {  	_ =	shalt  }
0x80: {  	_ =	shalt  }
0x81: {  	_ =	shalt  }
0x82: {  	_ =	shalt  }
0x83: {  	_ =	shalt  }
0x84: {  	_ =	shalt  }
0x85: {  	_ =	shalt  }
0x86: {  	_ =	shalt  }
0x87: {  	_ =	shalt  }
.Lfunc_end0:
.L_simem_size_0:
called_computation.1_lowered:
.L_overlay_start_0:
0x88: {  	s2 =	sld [smem:$0x3FD9]  }
0x89: {  	s3 =	sld [smem:$0x3FFE];
	_ =	sdelay $0x1  }
0x8a: {  	s1 =	srdreg.scid  }
0x8b: {  	s0 =	sand.u32 $0x1, s1  }
0x8c: {  	s17 =	sshll.u32 s0, $0xA;
	s2 =	sadd.s32 s3, s2  }
0x8d: {  	s2 =	sadd.s32 s2, s17  }
0x8e: {  	[smem:$0x3FC6] =	sst s2  }
0x8f: {  	_ = 	snop  }
0x90: {  	s2 =	sld [smem:$0x3FC9]  }
0x91: {  	s18 =	sld [smem:$0x3FD0];
	(tm) =	ssettm $0x1  }
0x92: {  	s4 =	sld [smem:$0x3FFB];
	_ =	sdelay $0x3  }
0x93: {  	_ =	strace s4  }
0x94: {  	s4 =	sld [smem:$0x3FFC];
	_ =	sdelay $0x3  }
0x95: {  	_ =	strace s4  }
0x96: {  	s4 =	sld [smem:$0x3FFD];
	_ =	sdelay $0x3  }
0x97: {  	_ =	strace s4  }
0x98: {  	_ =	strace $0x8FFFFFFF  }
0x99: {  	s19 =	sld [smem:$0x3FDB];
	_ =	sdelay $0x1  }
0x9a: {  	s5 =	simm.s32 $_scs_section_size  }
0x9b: {  	s6 =	simm.s32 $_size__tile_overlayer_lowered;
	s7 =	simm.s32 $_tile_overlayer_lowered  }
0x9c: {  	s22 =	simm.s32 $0x1BFF;
	s21 =	sshll.u32 s7, $0x1;
	s4 =	sadd.s32 s5, s19  }
0x9d: {  	s8 =	simm.s32 $0x0;
	s20 =	sshll.u32 s6, $0x1;
	s6 =	sadd.s32 s21, s4  }
0x9e: {  	[timem:s8], [sflag:s22] =	dma.local [hbm:s6], s20  }
0x9f: {  	_ =	swait.ge [sflag:s22], s20  }
0xa0: {  	s5 =	ssub.s32 $0x0, s20;
	[sflag:s22] =	ssyncset.done $0x0  }
0xa1: {  	[sflag:s22] =	ssyncadd.s32 s5;
	_ =	sdelay $0x1  }
0xa2: {  	s23 =	simm.s32 $0x1B8B  }
0xa3: {  	_ =	swait.ge [sflag:s23], $0x1  }
0xa4: {  	[sflag:s23] =	ssyncset.done $0x0  }
0xa5: {  	s25 =	simm.s32 $0x1B8E;
	s24 =	sld [smem:$0x3FFE];
	[sflag:s23] =	ssyncadd.s32 $0xFFFFFFFF  }
0xa6: {  	s26 =	simm.s32 $execute0_lowered;
	[smem:$0x3FD2] =	sst s25  }
0xa7: {  	s6 =	sshll.u32 s26, $0x1;
	_ =	strace $0x80000046;
	[dreg:$0x1] =	wrdreg $0xFFFFFFFF  }
0xa8: {  	s28 =	simm.s32 $_size_execute0_lowered;
	s4 =	sadd.s32 s4, s6;
	[dreg:$0x0] =	wrdreg $0x0  }
0xa9: {  	s6 =	sshll.u32 s28, $0x1;
	[dreg:$0x2] =	wrdreg s4  }
0xaa: {  	[dreg:$0x3] =	wrdreg s6  }
0xab: {  	[dreg:$0x4] =	wrdreg $0xC0  }
0xac: {  	_ =	task [dreg:s8], $0x5FFFF  }
0xad: {  	[dreg:$0x1] =	wrdreg $0xFFFFFFFF  }
0xae: {  	[dreg:$0x0] =	wrdreg $0x60  }
0xaf: {  	[dreg:$0x2] =	wrdreg s2  }
0xb0: {  	[dreg:$0x3] =	wrdreg s24  }
0xb1: {  	[dreg:$0x4] =	wrdreg s18  }
0xb2: {  	[dreg:$0x5] =	wrdreg $0x9  }
0xb3: {  	_ =	task.clear_ibuf [dreg:s8], $0x6FFFF;
	_ =	strace $0x90000046  }
0xb4: {  	s29 =	simm.s32 $0x9;
	_ =	strace $0x80000048  }
0xb5: {  	_ =	swait.ge [sflag:s29], $0x1  }
0xb6: {  	[sflag:s29] =	ssyncadd.s32 $0xFFFFFFFF  }
0xb7: {  	_ =	strace $0x90000048  }
0xb8: {  	_ =	sfence  }
0xb9: {  	s30 =	sld [smem:$0x0];
	_ =	sdelay $0x2  }
0xba: {  	s31 =	sshll.u32 s1, $0xD;
	s1 =	sshrl.u32 s1, $0x2  }
0xbb: {  	s3 =	sand.u32 $0x4000, s31;
	s1 =	sadd.s32 s1, s30  }
0xbc: {  	s0 =	sor.u32 s3, s0;
	s1 =	sshll.u32 s1, $0x11  }
0xbd: {  	s0 =	sor.u32 s1, s0  }
0xbe: {  	s0 =	sadd.s32 $0x8F2B, s0  }
0xbf: {  	[sflag:s0] =	ssyncadd.remote.s32 $0x1  }
0xc0: {  	_ =	sfence.sel $0xFFFF  }
0xc1: {  	[dreg:$0x0] =	wrdreg $0xFFFFFFFF;
	(pc) =	sbr.abs _section_cstart, $3  }
0xc2: {  	[dreg:$0x1] =	wrdreg $0xFFFFFFFF  }
0xc3: {  	_ =	task.clear_ibuf [dreg:s8], $0x2FFFF;
	_ =	strace $0x9FFFFFFF  }
0xc4: {  	(tm) =	ssettm $0x7FFFFFFF  }
0xc5: {  	_ =	shalt  }
tec
execute0_lowered:
.L_overlay_start_1:
0x0: {  	(tag) =	ssettag $0x1  }
0x1: {  	s1 =	srdreg.scid;
	s0 =	stileid.u32  }
0x2: {  	s1 =	sand.u32 $0x1, s1;
	s2 =	sshll.u32 s0, $0x1  }
0x3: {  	s3 =	rddreg [dreg:$0x0];
	s4 =	sor.u32 s1, s2  }
0x4: {  	s5 =	rddreg [dreg:$0x1];
	s7 =	smul.u32 $0x680, s4  }
0x5: {  	s6 =	rddreg [dreg:$0x2];
	s2 =	simm.s32 $0x0;
	s8 =	smul.u32 $0x1A000, s4  }
0x6: {  	[smem:$0x7FF] =	sst s2;
	s4 =	smul.u32 $0xD0000, s4  }
0x7: {  	_ =	strace $0x80000047;
	s7 =	sadd.s32 s3, s7;
	s3 =	sadd.s32 s6, s8  }
0x8: {  	s4 =	sshrl.u32 s4, $0x3;
	[dreg:$0x4] =	wrdreg s7;
	s16 =	sadd.s32 $0x1A00, s3  }
0x9: {  	s31 =	sadd.s32 s6, s4;
	[dreg:$0x5] =	wrdreg s16  }
0xa: {  	s4 =	sadd.s32 $0x3400, s31;
	s25 =	rddreg [dreg:$0x4]  }
0xb: {  	s17 =	sadd.s32 $0x4E00, s31;
	[dreg:$0x6] =	wrdreg s4  }
0xc: {  	s18 =	sadd.s32 $0x6800, s31;
	[dreg:$0x7] =	wrdreg s17  }
0xd: {  	s19 =	sadd.s32 $0x8200, s31;
	[dreg:$0x8] =	wrdreg s18  }
0xe: {  	s20 =	sadd.s32 $0x9C00, s31;
	[dreg:$0x9] =	wrdreg s19  }
0xf: {  	s21 =	sadd.s32 $0xB600, s31;
	[dreg:$0xa] =	wrdreg s20  }
0x10: {  	s22 =	sadd.s32 $0xD000, s31;
	[dreg:$0xb] =	wrdreg s21  }
0x11: {  	s23 =	sadd.s32 $0xEA00, s31;
	[dreg:$0xc] =	wrdreg s22  }
0x12: {  	s24 =	sadd.s32 $0x10400, s31;
	[dreg:$0xd] =	wrdreg s23  }
0x13: {  	s26 =	sadd.s32 $0x11E00, s31;
	[dreg:$0xe] =	wrdreg s24  }
0x14: {  	[dreg:$0xf] =	wrdreg s26;
	s4 =	simm.s32 $0x5  }
0x15: {  	[tilespmem:s2], [sflag:$0x5] =	stream.linear.gather [hbm4b:s25+s2], $0x3400, $0x38;
	[tilespmem:$0x1D400] =	vst v63  }
0x16: {  	_ =	swait.ge [sflag:s4], $0x3400  }
0x17: {  	s5 =	sadd.s32 $0xF42C00, s5;
	[sflag:s4] =	ssyncset.done $0x0  }
0x18: {  	s6 =	simm.s32 $0x340;
	s7 =	simm.s32 $0x3400;
	[sflag:s4] =	ssyncadd.s32 $0xFFFFCC00  }
0x19: {  	[tilespmem:s7], [sflag:$0x1] =	stream.indirect.gather [hbm4b:s5+s6], $0x40, s2, s6, $0xb8;
	[tilespmem:$0x1D400] =	vst v63  }
0x1a: {  	s9 =	simm.s32 $0x1;
	s8 =	simm.s32 $0x10400  }
0x1b: {  	[tilespmem:s8], [sflag:$0x2] =	stream.indirect.gather [hbm4b:s5+s6], $0x40, s6, s6, $0xb8;
	[tilespmem:$0x1D400] =	vst v63  }
0x1c: {  	_ =	swait.ge [sflag:s9], $0xD000  }
0x1d: {  	[sflag:s9] =	ssyncset.done $0x0  }
0x1e: {  	s10 =	simm.s32 $0x3;
	[sflag:s9] =	ssyncadd.s32 $0xFFFF3000  }
0x1f: {  	[hbm4b:s3+s2] =	stream.linear.scatter [tilespmem:s7], [sflag:$0x3], $0xD000, $0x38;
	[tilespmem:$0x1D400] =	vst v63  }
0x20: {  	_ =	swait.ge [sflag:s10], $0xD000  }
0x21: {  	[sflag:s10] =	ssyncset.done $0x0  }
0x22: {  	s11 =	simm.s32 $0x680;
	s12 =	simm.s32 $0x2;
	[sflag:s10] =	ssyncadd.s32 $0xFFFF3000  }
0x23: {  	[tilespmem:s7], [sflag:$0x1] =	stream.indirect.gather [hbm4b:s5+s6], $0x40, s11, s6, $0xb8;
	[tilespmem:$0x1D400] =	vst v63  }
0x24: {  	_ =	swait.ge [sflag:s12], $0xD000  }
0x25: {  	[sflag:s12] =	ssyncset.done $0x0  }
0x26: {  	s13 =	simm.s32 $0x4;
	s14 =	rddreg [dreg:$0x5];
	[sflag:s12] =	ssyncadd.s32 $0xFFFF3000  }
0x27: {  	[hbm4b:s14+s2] =	stream.linear.scatter [tilespmem:s8], [sflag:$0x4], $0xD000, $0x38;
	[tilespmem:$0x1D400] =	vst v63  }
0x28: {  	_ =	swait.ge [sflag:s13], $0xD000  }
0x29: {  	[sflag:s13] =	ssyncset.done $0x0  }
0x2a: {  	s14 =	simm.s32 $0x9C0;
	[sflag:s13] =	ssyncadd.s32 $0xFFFF3000  }
0x2b: {  	[tilespmem:s8], [sflag:$0x2] =	stream.indirect.gather [hbm4b:s5+s6], $0x40, s14, s6, $0xb8;
	[tilespmem:$0x1D400] =	vst v63  }
0x2c: {  	_ =	swait.ge [sflag:s9], $0xD000  }
0x2d: {  	[sflag:s9] =	ssyncset.done $0x0  }
0x2e: {  	s15 =	rddreg [dreg:$0x6];
	[sflag:s9] =	ssyncadd.s32 $0xFFFF3000  }
0x2f: {  	[hbm4b:s15+s2] =	stream.linear.scatter [tilespmem:s7], [sflag:$0x3], $0xD000, $0x38;
	[tilespmem:$0x1D400] =	vst v63  }
0x30: {  	_ =	swait.ge [sflag:s10], $0xD000  }
0x31: {  	[sflag:s10] =	ssyncset.done $0x0  }
0x32: {  	s15 =	simm.s32 $0xD00;
	[sflag:s10] =	ssyncadd.s32 $0xFFFF3000  }
0x33: {  	[tilespmem:s7], [sflag:$0x1] =	stream.indirect.gather [hbm4b:s5+s6], $0x40, s15, s6, $0xb8;
	[tilespmem:$0x1D400] =	vst v63  }
0x34: {  	_ =	swait.ge [sflag:s12], $0xD000  }
0x35: {  	[sflag:s12] =	ssyncset.done $0x0  }
0x36: {  	s16 =	rddreg [dreg:$0x7];
	[sflag:s12] =	ssyncadd.s32 $0xFFFF3000  }
0x37: {  	[hbm4b:s16+s2] =	stream.linear.scatter [tilespmem:s8], [sflag:$0x4], $0xD000, $0x38;
	[tilespmem:$0x1D400] =	vst v63  }
0x38: {  	_ =	swait.ge [sflag:s13], $0xD000  }
0x39: {  	[sflag:s13] =	ssyncset.done $0x0  }
0x3a: {  	s16 =	simm.s32 $0x1040;
	[sflag:s13] =	ssyncadd.s32 $0xFFFF3000  }
0x3b: {  	[tilespmem:s8], [sflag:$0x2] =	stream.indirect.gather [hbm4b:s5+s6], $0x40, s16, s6, $0xb8;
	[tilespmem:$0x1D400] =	vst v63  }
0x3c: {  	_ =	swait.ge [sflag:s9], $0xD000  }
0x3d: {  	[sflag:s9] =	ssyncset.done $0x0  }
0x3e: {  	s17 =	rddreg [dreg:$0x8];
	[sflag:s9] =	ssyncadd.s32 $0xFFFF3000  }
0x3f: {  	[hbm4b:s17+s2] =	stream.linear.scatter [tilespmem:s7], [sflag:$0x3], $0xD000, $0x38;
	[tilespmem:$0x1D400] =	vst v63  }
0x40: {  	_ =	swait.ge [sflag:s10], $0xD000  }
0x41: {  	[sflag:s10] =	ssyncset.done $0x0  }
0x42: {  	s17 =	simm.s32 $0x1380;
	[sflag:s10] =	ssyncadd.s32 $0xFFFF3000  }
0x43: {  	[tilespmem:s7], [sflag:$0x1] =	stream.indirect.gather [hbm4b:s5+s6], $0x40, s17, s6, $0xb8;
	[tilespmem:$0x1D400] =	vst v63  }
0x44: {  	_ =	swait.ge [sflag:s12], $0xD000  }
0x45: {  	[sflag:s12] =	ssyncset.done $0x0  }
0x46: {  	s18 =	rddreg [dreg:$0x9];
	[sflag:s12] =	ssyncadd.s32 $0xFFFF3000  }
0x47: {  	[hbm4b:s18+s2] =	stream.linear.scatter [tilespmem:s8], [sflag:$0x4], $0xD000, $0x38;
	[tilespmem:$0x1D400] =	vst v63  }
0x48: {  	_ =	swait.ge [sflag:s13], $0xD000  }
0x49: {  	[sflag:s13] =	ssyncset.done $0x0  }
0x4a: {  	s18 =	simm.s32 $0x16C0;
	[sflag:s13] =	ssyncadd.s32 $0xFFFF3000  }
0x4b: {  	[tilespmem:s8], [sflag:$0x2] =	stream.indirect.gather [hbm4b:s5+s6], $0x40, s18, s6, $0xb8;
	[tilespmem:$0x1D400] =	vst v63  }
0x4c: {  	_ =	swait.ge [sflag:s9], $0xD000  }
0x4d: {  	[sflag:s9] =	ssyncset.done $0x0  }
0x4e: {  	s19 =	rddreg [dreg:$0xa];
	[sflag:s9] =	ssyncadd.s32 $0xFFFF3000  }
0x4f: {  	[hbm4b:s19+s2] =	stream.linear.scatter [tilespmem:s7], [sflag:$0x3], $0xD000, $0x38;
	[tilespmem:$0x1D400] =	vst v63  }
0x50: {  	_ =	swait.ge [sflag:s10], $0xD000  }
0x51: {  	[sflag:s10] =	ssyncset.done $0x0  }
0x52: {  	s19 =	simm.s32 $0x1A00;
	[sflag:s10] =	ssyncadd.s32 $0xFFFF3000  }
0x53: {  	[tilespmem:s7], [sflag:$0x1] =	stream.indirect.gather [hbm4b:s5+s6], $0x40, s19, s6, $0xb8;
	[tilespmem:$0x1D400] =	vst v63  }
0x54: {  	_ =	swait.ge [sflag:s12], $0xD000  }
0x55: {  	[sflag:s12] =	ssyncset.done $0x0  }
0x56: {  	s20 =	rddreg [dreg:$0xb];
	[sflag:s12] =	ssyncadd.s32 $0xFFFF3000  }
0x57: {  	[hbm4b:s20+s2] =	stream.linear.scatter [tilespmem:s8], [sflag:$0x4], $0xD000, $0x38;
	[tilespmem:$0x1D400] =	vst v63  }
0x58: {  	_ =	swait.ge [sflag:s13], $0xD000  }
0x59: {  	[sflag:s13] =	ssyncset.done $0x0  }
0x5a: {  	s20 =	simm.s32 $0x1D40;
	[sflag:s13] =	ssyncadd.s32 $0xFFFF3000  }
0x5b: {  	[tilespmem:s8], [sflag:$0x2] =	stream.indirect.gather [hbm4b:s5+s6], $0x40, s20, s6, $0xb8;
	[tilespmem:$0x1D400] =	vst v63  }
0x5c: {  	_ =	swait.ge [sflag:s9], $0xD000  }
0x5d: {  	[sflag:s9] =	ssyncset.done $0x0  }
0x5e: {  	s21 =	rddreg [dreg:$0xc];
	[sflag:s9] =	ssyncadd.s32 $0xFFFF3000  }
0x5f: {  	[hbm4b:s21+s2] =	stream.linear.scatter [tilespmem:s7], [sflag:$0x3], $0xD000, $0x38;
	[tilespmem:$0x1D400] =	vst v63  }
0x60: {  	_ =	swait.ge [sflag:s10], $0xD000  }
0x61: {  	[sflag:s10] =	ssyncset.done $0x0  }
0x62: {  	s21 =	simm.s32 $0x2080;
	[sflag:s10] =	ssyncadd.s32 $0xFFFF3000  }
0x63: {  	[tilespmem:s7], [sflag:$0x1] =	stream.indirect.gather [hbm4b:s5+s6], $0x40, s21, s6, $0xb8;
	[tilespmem:$0x1D400] =	vst v63  }
0x64: {  	_ =	swait.ge [sflag:s12], $0xD000  }
0x65: {  	[sflag:s12] =	ssyncset.done $0x0  }
0x66: {  	s22 =	rddreg [dreg:$0xd];
	[sflag:s12] =	ssyncadd.s32 $0xFFFF3000  }
0x67: {  	[hbm4b:s22+s2] =	stream.linear.scatter [tilespmem:s8], [sflag:$0x4], $0xD000, $0x38;
	[tilespmem:$0x1D400] =	vst v63  }
0x68: {  	_ =	swait.ge [sflag:s13], $0xD000  }
0x69: {  	[sflag:s13] =	ssyncset.done $0x0  }
0x6a: {  	s22 =	simm.s32 $0x23C0;
	[sflag:s13] =	ssyncadd.s32 $0xFFFF3000  }
0x6b: {  	[tilespmem:s8], [sflag:$0x2] =	stream.indirect.gather [hbm4b:s5+s6], $0x40, s22, s6, $0xb8;
	[tilespmem:$0x1D400] =	vst v63  }
0x6c: {  	_ =	swait.ge [sflag:s9], $0xD000  }
0x6d: {  	[sflag:s9] =	ssyncset.done $0x0  }
0x6e: {  	s23 =	rddreg [dreg:$0xe];
	[sflag:s9] =	ssyncadd.s32 $0xFFFF3000  }
0x6f: {  	[hbm4b:s23+s2] =	stream.linear.scatter [tilespmem:s7], [sflag:$0x3], $0xD000, $0x38;
	[tilespmem:$0x1D400] =	vst v63  }
0x70: {  	_ =	swait.ge [sflag:s10], $0xD000  }
0x71: {  	[sflag:s10] =	ssyncset.done $0x0  }
0x72: {  	s23 =	simm.s32 $0x2700;
	[sflag:s10] =	ssyncadd.s32 $0xFFFF3000  }
0x73: {  	[tilespmem:s7], [sflag:$0x1] =	stream.indirect.gather [hbm4b:s5+s6], $0x40, s23, s6, $0xb8;
	[tilespmem:$0x1D400] =	vst v63  }
0x74: {  	_ =	swait.ge [sflag:s12], $0xD000  }
0x75: {  	[sflag:s12] =	ssyncset.done $0x0  }
0x76: {  	s24 =	rddreg [dreg:$0xf];
	[sflag:s12] =	ssyncadd.s32 $0xFFFF3000  }
0x77: {  	[hbm4b:s24+s2] =	stream.linear.scatter [tilespmem:s8], [sflag:$0x4], $0xD000, $0x38;
	[tilespmem:$0x1D400] =	vst v63  }
0x78: {  	_ =	swait.ge [sflag:s13], $0xD000  }
0x79: {  	[sflag:s13] =	ssyncset.done $0x0  }
0x7a: {  	s24 =	simm.s32 $0x2A40;
	[sflag:s13] =	ssyncadd.s32 $0xFFFF3000  }
0x7b: {  	[tilespmem:s8], [sflag:$0x2] =	stream.indirect.gather [hbm4b:s5+s6], $0x40, s24, s6, $0xb8;
	[tilespmem:$0x1D400] =	vst v63  }
0x7c: {  	_ =	swait.ge [sflag:s9], $0xD000  }
0x7d: {  	[sflag:s9] =	ssyncset.done $0x0  }
0x7e: {  	s25 =	sadd.s32 $0x13800, s31;
	[sflag:s9] =	ssyncadd.s32 $0xFFFF3000  }
0x7f: {  	[hbm4b:s25+s2] =	stream.linear.scatter [tilespmem:s7], [sflag:$0x3], $0xD000, $0x38;
	[tilespmem:$0x1D400] =	vst v63  }
0x80: {  	_ =	swait.ge [sflag:s10], $0xD000  }
0x81: {  	[sflag:s10] =	ssyncset.done $0x0  }
0x82: {  	s26 =	simm.s32 $0x2D80;
	[sflag:s10] =	ssyncadd.s32 $0xFFFF3000  }
0x83: {  	[tilespmem:s7], [sflag:$0x1] =	stream.indirect.gather [hbm4b:s5+s6], $0x40, s26, s6, $0xb8;
	[tilespmem:$0x1D400] =	vst v63  }
0x84: {  	_ =	swait.ge [sflag:s12], $0xD000  }
0x85: {  	[sflag:s12] =	ssyncset.done $0x0  }
0x86: {  	s28 =	sadd.s32 $0x15200, s31;
	[sflag:s12] =	ssyncadd.s32 $0xFFFF3000  }
0x87: {  	[hbm4b:s28+s2] =	stream.linear.scatter [tilespmem:s8], [sflag:$0x4], $0xD000, $0x38;
	[tilespmem:$0x1D400] =	vst v63  }
0x88: {  	_ =	swait.ge [sflag:s13], $0xD000  }
0x89: {  	[sflag:s13] =	ssyncset.done $0x0  }
0x8a: {  	s29 =	simm.s32 $0x30C0;
	[sflag:s13] =	ssyncadd.s32 $0xFFFF3000  }
0x8b: {  	[tilespmem:s8], [sflag:$0x2] =	stream.indirect.gather [hbm4b:s5+s6], $0x40, s29, s6, $0xb8;
	[tilespmem:$0x1D400] =	vst v63  }
0x8c: {  	_ =	swait.ge [sflag:s9], $0xD000  }
0x8d: {  	s1 =	ssub.s32 $0x2, s1;
	[sflag:s9] =	ssyncset.done $0x0  }
0x8e: {  	s0 =	sshrl.u32 s1, $0x1;
	s30 =	sadd.s32 $0x16C00, s31;
	[sflag:s9] =	ssyncadd.s32 $0xFFFF3000  }
0x8f: {  	[hbm4b:s30+s2] =	stream.linear.scatter [tilespmem:s7], [sflag:$0x3], $0xD000, $0x38;
	[tilespmem:$0x1D400] =	vst v63  }
0x90: {  	s0 =	ssub.s32 s1, s0;
	_ =	swait.ge [sflag:s12], $0xD000  }
0x91: {  	s0 =	smax.u32 s0, $0x1;
	[sflag:s12] =	ssyncset.done $0x0  }
0x92: {  	p0 =	sne.s32 s0, $0x1;
	s31 =	sadd.s32 $0x18600, s31;
	[sflag:s12] =	ssyncadd.s32 $0xFFFF3000  }
0x93: {  	[hbm4b:s31+s2] =	stream.linear.scatter [tilespmem:s8], [sflag:$0x4], $0xD000, $0x38;
	[tilespmem:$0x1D400] =	vst v63  }
.Ltmp0:
0x94: {  	_ =	swait.ge [sflag:s10], $0xD000;
	(pc) =	sbr.rel @!p0 .LBB2_2-.Ltmp0, $4  }
0x95: {  	[sflag:s10] =	ssyncset.done $0x0  }
0x96: {  	[sflag:s10] =	ssyncadd.s32 $0xFFFF3000  }
0x97: {  	_ =	swait.ge [sflag:s13], $0xD000  }
0x98: {  	s1 =	sadd.s32 $0xFFFFFFFF, s0;
	[sflag:s13] =	ssyncset.done $0x0  }
.LBB2_1:
0x99: {  	s0 =	rddreg [dreg:$0x4];
	[sflag:s13] =	ssyncadd.s32 $0xFFFF3000  }
0x9a: {  	[tilespmem:s2], [sflag:$0x5] =	stream.linear.gather [hbm4b:s0+s2], $0x3400, $0x38;
	[tilespmem:$0x1D400] =	vst v63  }
0x9b: {  	_ =	swait.ge [sflag:s4], $0x3400  }
0x9c: {  	[sflag:s4] =	ssyncset.done $0x0  }
0x9d: {  	[sflag:s4] =	ssyncadd.s32 $0xFFFFCC00  }
0x9e: {  	[tilespmem:s7], [sflag:$0x1] =	stream.indirect.gather [hbm4b:s5+s6], $0x40, s2, s6, $0xb8;
	[tilespmem:$0x1D400] =	vst v63  }
0x9f: {  	_ = 	snop  }
0xa0: {  	[tilespmem:s8], [sflag:$0x2] =	stream.indirect.gather [hbm4b:s5+s6], $0x40, s6, s6, $0xb8;
	[tilespmem:$0x1D400] =	vst v63  }
0xa1: {  	_ =	swait.ge [sflag:s9], $0xD000  }
0xa2: {  	[sflag:s9] =	ssyncset.done $0x0  }
0xa3: {  	[sflag:s9] =	ssyncadd.s32 $0xFFFF3000  }
0xa4: {  	[hbm4b:s3+s2] =	stream.linear.scatter [tilespmem:s7], [sflag:$0x3], $0xD000, $0x38;
	[tilespmem:$0x1D400] =	vst v63  }
0xa5: {  	_ =	swait.ge [sflag:s10], $0xD000  }
0xa6: {  	[sflag:s10] =	ssyncset.done $0x0  }
0xa7: {  	[sflag:s10] =	ssyncadd.s32 $0xFFFF3000  }
0xa8: {  	[tilespmem:s7], [sflag:$0x1] =	stream.indirect.gather [hbm4b:s5+s6], $0x40, s11, s6, $0xb8;
	[tilespmem:$0x1D400] =	vst v63  }
0xa9: {  	_ =	swait.ge [sflag:s12], $0xD000  }
0xaa: {  	[sflag:s12] =	ssyncset.done $0x0  }
0xab: {  	s0 =	rddreg [dreg:$0x5];
	[sflag:s12] =	ssyncadd.s32 $0xFFFF3000  }
0xac: {  	[hbm4b:s0+s2] =	stream.linear.scatter [tilespmem:s8], [sflag:$0x4], $0xD000, $0x38;
	[tilespmem:$0x1D400] =	vst v63  }
0xad: {  	_ =	swait.ge [sflag:s13], $0xD000  }
0xae: {  	[sflag:s13] =	ssyncset.done $0x0  }
0xaf: {  	[sflag:s13] =	ssyncadd.s32 $0xFFFF3000  }
0xb0: {  	[tilespmem:s8], [sflag:$0x2] =	stream.indirect.gather [hbm4b:s5+s6], $0x40, s14, s6, $0xb8;
	[tilespmem:$0x1D400] =	vst v63  }
0xb1: {  	_ =	swait.ge [sflag:s9], $0xD000  }
0xb2: {  	[sflag:s9] =	ssyncset.done $0x0  }
0xb3: {  	s0 =	rddreg [dreg:$0x6];
	[sflag:s9] =	ssyncadd.s32 $0xFFFF3000  }
0xb4: {  	[hbm4b:s0+s2] =	stream.linear.scatter [tilespmem:s7], [sflag:$0x3], $0xD000, $0x38;
	[tilespmem:$0x1D400] =	vst v63  }
0xb5: {  	_ =	swait.ge [sflag:s10], $0xD000  }
0xb6: {  	[sflag:s10] =	ssyncset.done $0x0  }
0xb7: {  	[sflag:s10] =	ssyncadd.s32 $0xFFFF3000  }
0xb8: {  	[tilespmem:s7], [sflag:$0x1] =	stream.indirect.gather [hbm4b:s5+s6], $0x40, s15, s6, $0xb8;
	[tilespmem:$0x1D400] =	vst v63  }
0xb9: {  	_ =	swait.ge [sflag:s12], $0xD000  }
0xba: {  	[sflag:s12] =	ssyncset.done $0x0  }
0xbb: {  	s0 =	rddreg [dreg:$0x7];
	[sflag:s12] =	ssyncadd.s32 $0xFFFF3000  }
0xbc: {  	[hbm4b:s0+s2] =	stream.linear.scatter [tilespmem:s8], [sflag:$0x4], $0xD000, $0x38;
	[tilespmem:$0x1D400] =	vst v63  }
0xbd: {  	_ =	swait.ge [sflag:s13], $0xD000  }
0xbe: {  	[sflag:s13] =	ssyncset.done $0x0  }
0xbf: {  	[sflag:s13] =	ssyncadd.s32 $0xFFFF3000  }
0xc0: {  	[tilespmem:s8], [sflag:$0x2] =	stream.indirect.gather [hbm4b:s5+s6], $0x40, s16, s6, $0xb8;
	[tilespmem:$0x1D400] =	vst v63  }
0xc1: {  	_ =	swait.ge [sflag:s9], $0xD000  }
0xc2: {  	[sflag:s9] =	ssyncset.done $0x0  }
0xc3: {  	s0 =	rddreg [dreg:$0x8];
	[sflag:s9] =	ssyncadd.s32 $0xFFFF3000  }
0xc4: {  	[hbm4b:s0+s2] =	stream.linear.scatter [tilespmem:s7], [sflag:$0x3], $0xD000, $0x38;
	[tilespmem:$0x1D400] =	vst v63  }
0xc5: {  	_ =	swait.ge [sflag:s10], $0xD000  }
0xc6: {  	[sflag:s10] =	ssyncset.done $0x0  }
0xc7: {  	[sflag:s10] =	ssyncadd.s32 $0xFFFF3000  }
0xc8: {  	[tilespmem:s7], [sflag:$0x1] =	stream.indirect.gather [hbm4b:s5+s6], $0x40, s17, s6, $0xb8;
	[tilespmem:$0x1D400] =	vst v63  }
0xc9: {  	_ =	swait.ge [sflag:s12], $0xD000  }
0xca: {  	[sflag:s12] =	ssyncset.done $0x0  }
0xcb: {  	s0 =	rddreg [dreg:$0x9];
	[sflag:s12] =	ssyncadd.s32 $0xFFFF3000  }
0xcc: {  	[hbm4b:s0+s2] =	stream.linear.scatter [tilespmem:s8], [sflag:$0x4], $0xD000, $0x38;
	[tilespmem:$0x1D400] =	vst v63  }
0xcd: {  	_ =	swait.ge [sflag:s13], $0xD000  }
0xce: {  	[sflag:s13] =	ssyncset.done $0x0  }
0xcf: {  	[sflag:s13] =	ssyncadd.s32 $0xFFFF3000  }
0xd0: {  	[tilespmem:s8], [sflag:$0x2] =	stream.indirect.gather [hbm4b:s5+s6], $0x40, s18, s6, $0xb8;
	[tilespmem:$0x1D400] =	vst v63  }
0xd1: {  	_ =	swait.ge [sflag:s9], $0xD000  }
0xd2: {  	[sflag:s9] =	ssyncset.done $0x0  }
0xd3: {  	s0 =	rddreg [dreg:$0xa];
	[sflag:s9] =	ssyncadd.s32 $0xFFFF3000  }
0xd4: {  	[hbm4b:s0+s2] =	stream.linear.scatter [tilespmem:s7], [sflag:$0x3], $0xD000, $0x38;
	[tilespmem:$0x1D400] =	vst v63  }
0xd5: {  	_ =	swait.ge [sflag:s10], $0xD000  }
0xd6: {  	[sflag:s10] =	ssyncset.done $0x0  }
0xd7: {  	[sflag:s10] =	ssyncadd.s32 $0xFFFF3000  }
0xd8: {  	[tilespmem:s7], [sflag:$0x1] =	stream.indirect.gather [hbm4b:s5+s6], $0x40, s19, s6, $0xb8;
	[tilespmem:$0x1D400] =	vst v63  }
0xd9: {  	_ =	swait.ge [sflag:s12], $0xD000  }
0xda: {  	[sflag:s12] =	ssyncset.done $0x0  }
0xdb: {  	s0 =	rddreg [dreg:$0xb];
	[sflag:s12] =	ssyncadd.s32 $0xFFFF3000  }
0xdc: {  	[hbm4b:s0+s2] =	stream.linear.scatter [tilespmem:s8], [sflag:$0x4], $0xD000, $0x38;
	[tilespmem:$0x1D400] =	vst v63  }
0xdd: {  	_ =	swait.ge [sflag:s13], $0xD000  }
0xde: {  	[sflag:s13] =	ssyncset.done $0x0  }
0xdf: {  	[sflag:s13] =	ssyncadd.s32 $0xFFFF3000  }
0xe0: {  	[tilespmem:s8], [sflag:$0x2] =	stream.indirect.gather [hbm4b:s5+s6], $0x40, s20, s6, $0xb8;
	[tilespmem:$0x1D400] =	vst v63  }
0xe1: {  	_ =	swait.ge [sflag:s9], $0xD000  }
0xe2: {  	[sflag:s9] =	ssyncset.done $0x0  }
0xe3: {  	s0 =	rddreg [dreg:$0xc];
	[sflag:s9] =	ssyncadd.s32 $0xFFFF3000  }
0xe4: {  	[hbm4b:s0+s2] =	stream.linear.scatter [tilespmem:s7], [sflag:$0x3], $0xD000, $0x38;
	[tilespmem:$0x1D400] =	vst v63  }
0xe5: {  	_ =	swait.ge [sflag:s10], $0xD000  }
0xe6: {  	[sflag:s10] =	ssyncset.done $0x0  }
0xe7: {  	[sflag:s10] =	ssyncadd.s32 $0xFFFF3000  }
0xe8: {  	[tilespmem:s7], [sflag:$0x1] =	stream.indirect.gather [hbm4b:s5+s6], $0x40, s21, s6, $0xb8;
	[tilespmem:$0x1D400] =	vst v63  }
0xe9: {  	_ =	swait.ge [sflag:s12], $0xD000  }
0xea: {  	[sflag:s12] =	ssyncset.done $0x0  }
0xeb: {  	s0 =	rddreg [dreg:$0xd];
	[sflag:s12] =	ssyncadd.s32 $0xFFFF3000  }
0xec: {  	[hbm4b:s0+s2] =	stream.linear.scatter [tilespmem:s8], [sflag:$0x4], $0xD000, $0x38;
	[tilespmem:$0x1D400] =	vst v63  }
0xed: {  	_ =	swait.ge [sflag:s13], $0xD000  }
0xee: {  	[sflag:s13] =	ssyncset.done $0x0  }
0xef: {  	[sflag:s13] =	ssyncadd.s32 $0xFFFF3000  }
0xf0: {  	[tilespmem:s8], [sflag:$0x2] =	stream.indirect.gather [hbm4b:s5+s6], $0x40, s22, s6, $0xb8;
	[tilespmem:$0x1D400] =	vst v63  }
0xf1: {  	_ =	swait.ge [sflag:s9], $0xD000  }
0xf2: {  	[sflag:s9] =	ssyncset.done $0x0  }
0xf3: {  	s0 =	rddreg [dreg:$0xe];
	[sflag:s9] =	ssyncadd.s32 $0xFFFF3000  }
0xf4: {  	[hbm4b:s0+s2] =	stream.linear.scatter [tilespmem:s7], [sflag:$0x3], $0xD000, $0x38;
	[tilespmem:$0x1D400] =	vst v63  }
0xf5: {  	_ =	swait.ge [sflag:s10], $0xD000  }
0xf6: {  	[sflag:s10] =	ssyncset.done $0x0  }
0xf7: {  	[sflag:s10] =	ssyncadd.s32 $0xFFFF3000  }
0xf8: {  	[tilespmem:s7], [sflag:$0x1] =	stream.indirect.gather [hbm4b:s5+s6], $0x40, s23, s6, $0xb8;
	[tilespmem:$0x1D400] =	vst v63  }
0xf9: {  	_ =	swait.ge [sflag:s12], $0xD000  }
0xfa: {  	[sflag:s12] =	ssyncset.done $0x0  }
0xfb: {  	s0 =	rddreg [dreg:$0xf];
	[sflag:s12] =	ssyncadd.s32 $0xFFFF3000  }
0xfc: {  	[hbm4b:s0+s2] =	stream.linear.scatter [tilespmem:s8], [sflag:$0x4], $0xD000, $0x38;
	[tilespmem:$0x1D400] =	vst v63  }
0xfd: {  	_ =	swait.ge [sflag:s13], $0xD000  }
0xfe: {  	[sflag:s13] =	ssyncset.done $0x0  }
0xff: {  	[sflag:s13] =	ssyncadd.s32 $0xFFFF3000  }
0x100: {  	[tilespmem:s8], [sflag:$0x2] =	stream.indirect.gather [hbm4b:s5+s6], $0x40, s24, s6, $0xb8;
	[tilespmem:$0x1D400] =	vst v63  }
0x101: {  	_ =	swait.ge [sflag:s9], $0xD000  }
0x102: {  	[sflag:s9] =	ssyncset.done $0x0  }
0x103: {  	[sflag:s9] =	ssyncadd.s32 $0xFFFF3000  }
0x104: {  	[hbm4b:s25+s2] =	stream.linear.scatter [tilespmem:s7], [sflag:$0x3], $0xD000, $0x38;
	[tilespmem:$0x1D400] =	vst v63  }
0x105: {  	_ =	swait.ge [sflag:s10], $0xD000  }
0x106: {  	[sflag:s10] =	ssyncset.done $0x0  }
0x107: {  	[sflag:s10] =	ssyncadd.s32 $0xFFFF3000  }
0x108: {  	[tilespmem:s7], [sflag:$0x1] =	stream.indirect.gather [hbm4b:s5+s6], $0x40, s26, s6, $0xb8;
	[tilespmem:$0x1D400] =	vst v63  }
0x109: {  	_ =	swait.ge [sflag:s12], $0xD000  }
0x10a: {  	[sflag:s12] =	ssyncset.done $0x0  }
0x10b: {  	[sflag:s12] =	ssyncadd.s32 $0xFFFF3000  }
0x10c: {  	[hbm4b:s28+s2] =	stream.linear.scatter [tilespmem:s8], [sflag:$0x4], $0xD000, $0x38;
	[tilespmem:$0x1D400] =	vst v63  }
0x10d: {  	_ =	swait.ge [sflag:s13], $0xD000  }
0x10e: {  	[sflag:s13] =	ssyncset.done $0x0  }
0x10f: {  	[sflag:s13] =	ssyncadd.s32 $0xFFFF3000  }
0x110: {  	[tilespmem:s8], [sflag:$0x2] =	stream.indirect.gather [hbm4b:s5+s6], $0x40, s29, s6, $0xb8;
	[tilespmem:$0x1D400] =	vst v63  }
0x111: {  	_ =	swait.ge [sflag:s9], $0xD000  }
0x112: {  	[sflag:s9] =	ssyncset.done $0x0  }
0x113: {  	[sflag:s9] =	ssyncadd.s32 $0xFFFF3000  }
0x114: {  	[hbm4b:s30+s2] =	stream.linear.scatter [tilespmem:s7], [sflag:$0x3], $0xD000, $0x38;
	[tilespmem:$0x1D400] =	vst v63  }
0x115: {  	_ =	swait.ge [sflag:s12], $0xD000  }
0x116: {  	[sflag:s12] =	ssyncset.done $0x0  }
0x117: {  	p0 =	sne.s32 s1, $0x1;
	[sflag:s12] =	ssyncadd.s32 $0xFFFF3000  }
0x118: {  	[hbm4b:s31+s2] =	stream.linear.scatter [tilespmem:s8], [sflag:$0x4], $0xD000, $0x38;
	[tilespmem:$0x1D400] =	vst v63  }
.Ltmp1:
0x119: {  	_ =	swait.ge [sflag:s10], $0xD000;
	(pc) =	sbr.rel @p0 .LBB2_1-.Ltmp1, $4  }
0x11a: {  	[sflag:s10] =	ssyncset.done $0x0  }
0x11b: {  	[sflag:s10] =	ssyncadd.s32 $0xFFFF3000  }
0x11c: {  	_ =	swait.ge [sflag:s13], $0xD000  }
0x11d: {  	s1 =	sadd.s32 $0xFFFFFFFF, s1;
	[sflag:s13] =	ssyncset.done $0x0  }
.LBB2_2:
0x11e: {  	[sflag:s13] =	ssyncadd.s32 $0xFFFF3000  }
0x11f: {  	_ =	sfence.sel $0x180000  }
0x120: {  	[bflag:$0x0] =	sbarrier.arrive $0xFFFF  }
0x121: {  	_ =	strace $0x90000047  }
0x122: {  	s0 =	stileid.u32;
	[bflag:$0x2] =	sbarrier.arrive $0xFFFF  }
0x123: {  	p0 =	sne.s32 s0, $0x0;
	s0 =	rddreg [dreg:$0x3]  }
0x124: {  	s0 =	sadd.s32 @!p0 $0x100000, s0  }
0x125: {  	[sflag:s0] =	ssyncadd.tile.s32 @!p0 $0x1;
	_ =	shalt  }
.Lfunc_end2:
_tile_overlayer_lowered:
.L_overlay_start_2:
0x126: {  	(tag) =	ssettag $0x2  }
0x127: {  	s0 =	rddreg [dreg:$0x0];
	s2 =	stileid.u32  }
0x128: {  	s1 =	rddreg [dreg:$0x1];
	p0 =	sne.s32 s2, $0x0  }
0x129: {  	s3 =	rddreg [dreg:$0x2];
	[bflag:$0x3] =	sbarrier.arrive $0xFFFF;
	s2 =	simm.s32 @!p0 $0x1C05  }
0x12a: {  	[timem:s3], [sflag:s2] =	dma.local @!p0 [hbm:s0], s1  }
0x12b: {  	s0 =	simm.s32 @!p0 $0x5  }
0x12c: {  	_ =	swait.ge @!p0 [sflag:s0], s1  }
0x12d: {  	s1 =	ssub.s32 @!p0 $0x0, s1;
	[sflag:s0] =	ssyncset.done @!p0 $0x0  }
0x12e: {  	[sflag:s0] =	ssyncadd.s32 @!p0 s1  }
0x12f: {  	[bflag:$0x3] =	sbarrier.arrive $0xFFFF  }
0x130: {  	_ =	shalt  }

// kernel: sparse-core-data-format-call.cloned.1.call-start
scs
called_computation_lowered:
.L_overlay_start_0:
0x0: {  	s2 =	sld [smem:$0x3FD9]  }
0x1: {  	s3 =	sld [smem:$0x3FFE];
	_ =	sdelay $0x1  }
0x2: {  	s1 =	srdreg.scid  }
0x3: {  	s0 =	sand.u32 $0x1, s1  }
0x4: {  	s18 =	sshll.u32 s0, $0xA;
	s2 =	sadd.s32 s3, s2  }
0x5: {  	s2 =	sadd.s32 s2, s18  }
0x6: {  	[smem:$0x3FC6] =	sst s2  }
0x7: {  	_ = 	snop  }
0x8: {  	s2 =	sld [smem:$0x3FD0];
	(tm) =	ssettm $0x1  }
0x9: {  	s19 =	sld [smem:$0x3FFB];
	_ =	sdelay $0x3  }
0xa: {  	_ =	strace s19  }
0xb: {  	s3 =	sld [smem:$0x3FFC];
	_ =	sdelay $0x3  }
0xc: {  	_ =	strace s3  }
0xd: {  	s3 =	sld [smem:$0x3FFD];
	_ =	sdelay $0x3  }
0xe: {  	_ =	strace s3  }
0xf: {  	_ =	strace $0x8FFFFFFF  }
0x10: {  	s20 =	sld [smem:$0x3FDB];
	_ =	sdelay $0x1  }
0x11: {  	s4 =	simm.s32 $_scs_section_size  }
0x12: {  	s5 =	simm.s32 $_size__tile_overlayer_lowered;
	s6 =	simm.s32 $_tile_overlayer_lowered  }
0x13: {  	s23 =	simm.s32 $0x1BFF;
	s22 =	sshll.u32 s6, $0x1;
	s3 =	sadd.s32 s4, s20  }
0x14: {  	s7 =	simm.s32 $0x0;
	s21 =	sshll.u32 s5, $0x1;
	s5 =	sadd.s32 s22, s3  }
0x15: {  	[timem:s7], [sflag:s23] =	dma.local [hbm:s5], s21  }
0x16: {  	_ =	swait.ge [sflag:s23], s21  }
0x17: {  	s4 =	ssub.s32 $0x0, s21;
	[sflag:s23] =	ssyncset.done $0x0  }
0x18: {  	[sflag:s23] =	ssyncadd.s32 s4;
	_ =	sdelay $0x1  }
0x19: {  	s24 =	simm.s32 $0x1B8B  }
0x1a: {  	_ =	swait.ge [sflag:s24], $0x1  }
0x1b: {  	[sflag:s24] =	ssyncset.done $0x0  }
0x1c: {  	s26 =	simm.s32 $0x1B8E;
	s25 =	sld [smem:$0x3FFE];
	[sflag:s24] =	ssyncadd.s32 $0xFFFFFFFF  }
0x1d: {  	s27 =	simm.s32 $execute0_lowered;
	[smem:$0x3FD2] =	sst s26  }
0x1e: {  	s5 =	sshll.u32 s27, $0x1;
	_ =	strace $0x80000049;
	[dreg:$0x1] =	wrdreg $0xFFFFFFFF  }
0x1f: {  	s28 =	simm.s32 $_size_execute0_lowered;
	s3 =	sadd.s32 s3, s5;
	[dreg:$0x0] =	wrdreg $0x0  }
0x20: {  	s5 =	sshll.u32 s28, $0x1;
	[dreg:$0x2] =	wrdreg s3  }
0x21: {  	[dreg:$0x3] =	wrdreg s5  }
0x22: {  	[dreg:$0x4] =	wrdreg $0xC0  }
0x23: {  	_ =	task [dreg:s7], $0x5FFFF  }
0x24: {  	[dreg:$0x1] =	wrdreg $0xFFFFFFFF  }
0x25: {  	[dreg:$0x0] =	wrdreg $0x60  }
0x26: {  	[dreg:$0x2] =	wrdreg s25  }
0x27: {  	[dreg:$0x3] =	wrdreg s2  }
0x28: {  	[dreg:$0x4] =	wrdreg $0x9  }
0x29: {  	_ =	task.clear_ibuf [dreg:s7], $0x5FFFF;
	_ =	strace $0x90000049  }
0x2a: {  	s29 =	simm.s32 $0x9;
	_ =	strace $0x8000004B  }
0x2b: {  	_ =	swait.ge [sflag:s29], $0x1  }
0x2c: {  	[sflag:s29] =	ssyncadd.s32 $0xFFFFFFFF  }
0x2d: {  	_ =	strace $0x9000004B  }
0x2e: {  	_ =	sfence  }
0x2f: {  	s30 =	sld [smem:$0x0];
	_ =	sdelay $0x2  }
0x30: {  	s31 =	sshll.u32 s1, $0xD;
	s1 =	sshrl.u32 s1, $0x2  }
0x31: {  	s3 =	sand.u32 $0x4000, s31;
	s1 =	sadd.s32 s1, s30  }
0x32: {  	s0 =	sor.u32 s3, s0;
	s1 =	sshll.u32 s1, $0x11  }
0x33: {  	s0 =	sor.u32 s1, s0  }
0x34: {  	s0 =	sadd.s32 $0x8F2B, s0  }
0x35: {  	[sflag:s0] =	ssyncadd.remote.s32 $0x1  }
0x36: {  	_ =	sfence.sel $0xFFFF  }
0x37: {  	[dreg:$0x0] =	wrdreg $0xFFFFFFFF;
	(pc) =	sbr.abs _section_cstart, $3  }
0x38: {  	[dreg:$0x1] =	wrdreg $0xFFFFFFFF  }
0x39: {  	_ =	task.clear_ibuf [dreg:s7], $0x2FFFF;
	_ =	strace $0x9FFFFFFF  }
0x3a: {  	(tm) =	ssettm $0x7FFFFFFF  }
0x3b: {  	_ =	shalt  }
tec
execute0_lowered:
.L_overlay_start_1:
0x0: {  	(tag) =	ssettag $0x1  }
0x1: {  	s0 =	srdreg.scid  }
0x2: {  	s1 =	sshll.u32 s0, $0x4  }
0x3: {  	s4 =	rddreg [dreg:$0x0];
	s0 =	stileid.u32;
	s1 =	sand.u32 $0x10, s1  }
0x4: {  	s2 =	rddreg [dreg:$0x1];
	s7 =	simm.s32 $0x1;
	s1 =	sor.u32 s0, s1  }
0x5: {  	s8 =	simm.s32 $0x2;
	s11 =	simm.s32 $0x0;
	s3 =	sshll.u32 s1, $0x7  }
0x6: {  	s10 =	simm.s32 $0x0;
	s4 =	sadd.s32 $0x800, s4;
	s6 =	ssub.s32 $0x68000, s3  }
.Ltmp0:
0x7: {  	s1 =	rddreg [dreg:$0x2];
	s5 =	sand.u32 $0xF80, s6;
	(pc) =	sbr.rel .LBB1_1-.Ltmp0, $4  }
0x8: {  	_ =	strace $0x8000004A;
	s9 =	smov.u32 s3;
	p0 =	sne.s32 s5, $0x0  }
0x9: {  	s6 =	sshrl.u32 s6, $0xC;
	s5 =	simm.s32 $0x1;
	s7 =	simm.s32 @!p0 $0x0  }
0xa: {  	[sflag:s5] =	ssyncpa.u1 $0x0;
	p0 =	por $0x0, $0x0;
	s6 =	sadd.s32 s7, s6  }
0xb: {  	[sflag:s8] =	ssyncpa.u1 $0x0;
	s8 =	simm.s32 $0x340000;
	s7 =	sadd.s32 $0x1, s6  }
.LBB1_4:
0xc: {  	s14 =	sshll.u32 s11, $0x3  }
0xd: {  	s30 =	sand.u32 $0x7F, s11;
	s15 =	sand.u32 $0xFFFFFC00, s14  }
0xe: {  	s11 =	sor.u32 s30, s15  }
0xf: {  	s15 =	smulhi.u32 $0x4EC4EC4F, s11  }
0x10: {  	s14 =	smulhi.u32 $0x4EC4EC4F, s14  }
0x11: {  	s15 =	sshrl.u32 s15, $0x11  }
0x12: {  	s14 =	sshrl.u32 s14, $0x11;
	s15 =	smul.u32 $0x68000, s15  }
0x13: {  	s14 =	sand.u32 $0x3F, s14  }
0x14: {  	s14 =	smul.u32 $0xD000, s14;
	s11 =	ssub.s32 s11, s15  }
0x15: {  	[tilespmem:s13+$0x810 ss:$0x81] =	vst.msk $0xffff, v2;
	s15 =	sand.u32 $0x7, s11  }
0x16: {  	[tilespmem:s13+$0x1020 ss:$0x81] =	vst.msk $0xffff, v0;
	s14 =	sadd.s32 s2, s14;
	s11 =	sshrl.u32 s11, $0x3;
	s15 =	sshll.u32 s15, $0x12  }
0x17: {  	[tilespmem:s13+$0x0 ss:$0x81] =	vst.msk $0xffff, v1;
	s11 =	sadd.s32 s11, s14;
	s31 =	sor.u32 $0x400, s15  }
0x18: {  	[hbm4b:s11+s31] =	stream.strided.scatter [tilespmem:s12], [sflag:$0x2], $0x2000, s8, s31, $0x20;
	[tilespmem:$0x8080] =	vst v63  }
.LBB1_5:
0x19: {  	s13 =	sadd.s32 $0x1000, s9  }
0x1a: {  	p2 =	sgt.s32 s13, $0x67FFF  }
0x1b: {  	s13 =	smov.u32 @p2 s3;
	p2 =	sne.s32 s10, s7  }
.Ltmp1:
0x1c: {  	p1 =	slt.u32 s10, $0x2;
	(pc) =	sbr.rel @!p2 .LBB1_6-.Ltmp1, $4  }
0x1d: {  	s12 =	simm.s32 @!p1 $0x2  }
0x1e: {  	s14 =	sadd.s32 $0x1, s10;
	_ =	swait.ge @!p1 [sflag:s12], $0x2000  }
0x1f: {  	s11 =	smov.u32 s9;
	p0 =	por !p0, !p0;
	[sflag:s12] =	ssyncset.done @!p1 $0x0  }
0x20: {  	s10 =	smov.u32 s14;
	s9 =	smov.u32 s13;
	[sflag:s12] =	ssyncadd.s32 @!p1 $0xFFFFE000  }
.LBB1_1:
0x21: {  	p1 =	sge.u32 s10, s6  }
0x22: {  	s12 =	sand.u32 @!p1 $0x1FFFFFF, s9  }
0x23: {  	s13 =	smulhi.u32 @!p1 $0x2762763, s12;
	_ =	sdelay $0x1  }
0x24: {  	s13 =	sshrl.u32 @!p1 s13, $0xC  }
0x25: {  	s13 =	smul.u32 @!p1 $0x68000, s13;
	_ =	sdelay $0x1  }
0x26: {  	s31 =	sadd.s32 $0xFFFFFFFF, s10;
	s14 =	sxor.u32 @!p1 $0xFFFFFFFF, s10;
	s12 =	ssub.s32 @!p1 s12, s13  }
0x27: {  	s15 =	simm.s32 @!p1 $0x80;
	s14 =	sshll.u32 @!p1 s14, $0xD;
	s12 =	sshll.u32 @!p1 s12, $0x4  }
0x28: {  	s13 =	sand.u32 @!p1 $0x2000, s14;
	s14 =	simm.s32 @!p1 $0x40;
	s12 =	sadd.s32 @!p1 s4, s12  }
0x29: {  	[tilespmem:s13], [sflag:$0x1] =	stream.strided.gather @!p1 [hbm4b:s12+s14], $0x2000, s15, s14, $0x38;
	[tilespmem:$0x8080] =	vst v63  }
0x2a: {  	p1 =	sge.u32 s31, s6  }
.Ltmp2:
0x2b: {  	_ = 	snop;
	(pc) =	sbr.rel @p1 .LBB1_5-.Ltmp2, $1  }
0x2c: {  	_ =	sdelay $0x3  }
0x2d: {  	s12 =	simm.s32 $0x1  }
0x2e: {  	_ =	swait.ge [sflag:s5], $0x2000;
	s12 =	simm.s32 @!p0 $0x0  }
0x2f: {  	[sflag:s5] =	ssyncset.done $0x0;
	s13 =	sshll.u32 s12, $0xD  }
0x30: {  	[sflag:s5] =	ssyncadd.s32 $0xFFFFE000;
	s16 =	sor.u32 $0x20, s13  }
0x31: {  	s12 =	smul.u32 $0x8100, s12;
	v3 =	vld [tilespmem:s16+$0x10]  }
0x32: {  	s30 =	sand.u32 $0x1, s10;
	v2 =	vld [tilespmem:s16+$0xFFFFFFF0]  }
0x33: {  	s13 =	smul.u32 $0x8100, s30;
	s12 =	sshrl.u32 s12, $0x2;
	v0 =	vld [tilespmem:s16+$0x0]  }
0x34: {  	v1 =	vld [tilespmem:s16+$0xFFFFFFE0];
	s14 =	sor.u32 $0x4000, s12  }
0x35: {  	s31 =	sshrl.u32 s13, $0x2;
	s13 =	sadd.s32 $0x0, s14  }
0x36: {  	s15 =	simm.s32 $0x4;
	s16 =	sadd.s32 $0x40, s16;
	s12 =	sor.u32 $0x4000, s31;
	[tilespmem:s13+$0x1830 ss:$0x81] =	vst.msk $0xffff, v3  }
.LBB1_3:
0x37: {  	v3 =	vld [tilespmem:s16+$0x10];
	p1 =	sne.s32 s15, $0x1FC;
	[tilespmem:s13+$0x810 ss:$0x81] =	vst.msk $0xffff, v2;
	s17 =	smov.u32 s15;
	s15 =	sadd.s32 $0x4, s15  }
.Ltmp3:
0x38: {  	v2 =	vld [tilespmem:s16+$0xFFFFFFF0];
	[tilespmem:s13+$0x1020 ss:$0x81] =	vst.msk $0xffff, v0;
	(pc) =	sbr.rel @p1 .LBB1_3-.Ltmp3, $4  }
0x39: {  	v0 =	vld [tilespmem:s16+$0x0];
	[tilespmem:s13+$0x0 ss:$0x81] =	vst.msk $0xffff, v1  }
0x3a: {  	s13 =	sshra.s32 s17, $0x2;
	v1 =	vld [tilespmem:s16+$0xFFFFFFE0]  }
0x3b: {  	s13 =	sadd.s32 s13, s14  }
0x3c: {  	s16 =	sadd.s32 $0x40, s16;
	[tilespmem:s13+$0x1830 ss:$0x81] =	vst.msk $0xffff, v3  }
.Ltmp4:
0x3d: {  	_ = 	snop;
	(pc) =	sbr.rel .LBB1_4-.Ltmp4, $1  }
0x3e: {  	_ =	sdelay $0x3  }
.LBB1_6:
0x3f: {  	_ =	sfence.sel $0x180000  }
0x40: {  	s2 =	simm.s32 $0x1;
	[bflag:$0x0] =	sbarrier.arrive $0xFFFF  }
0x41: {  	s31 =	simm.s32 $0x2;
	[sflag:s2] =	ssyncpa.u1 $0x1  }
0x42: {  	[sflag:s31] =	ssyncpa.u1 $0x1  }
0x43: {  	p0 =	sne.s32 s0, $0x0;
	_ =	strace $0x9000004A  }
0x44: {  	s0 =	sadd.s32 @!p0 $0x100000, s1;
	[bflag:$0x2] =	sbarrier.arrive $0xFFFF  }
0x45: {  	[sflag:s0] =	ssyncadd.tile.s32 @!p0 $0x1;
	_ =	shalt  }
.Lfunc_end1:
_tile_overlayer_lowered:
.L_overlay_start_2:
0x46: {  	(tag) =	ssettag $0x2  }
0x47: {  	s0 =	rddreg [dreg:$0x0];
	s2 =	stileid.u32  }
0x48: {  	s1 =	rddreg [dreg:$0x1];
	p0 =	sne.s32 s2, $0x0  }
0x49: {  	s3 =	rddreg [dreg:$0x2];
	[bflag:$0x3] =	sbarrier.arrive $0xFFFF;
	s2 =	simm.s32 @!p0 $0x1C01  }
0x4a: {  	[timem:s3], [sflag:s2] =	dma.local @!p0 [hbm:s0], s1  }
0x4b: {  	s0 =	simm.s32 @!p0 $0x1  }
0x4c: {  	_ =	swait.ge @!p0 [sflag:s0], s1  }
0x4d: {  	s1 =	ssub.s32 @!p0 $0x0, s1;
	[sflag:s0] =	ssyncset.done @!p0 $0x0  }
0x4e: {  	[sflag:s0] =	ssyncadd.s32 @!p0 s1  }
0x4f: {  	[bflag:$0x3] =	sbarrier.arrive $0xFFFF  }
0x50: {  	_ =	shalt  }

</sc_bundles>
